<compile_context>
chip_gen: v7x
topology: tpu7x:2x2x1
jax: 0.10.2.dev20260603
libtpu: 0.0.44.dev20260713+nightly
codegen_flags: <defaults>
</compile_context>

<pallas_src>
import functools

import jax
import jax.numpy as jnp
from jax import lax
from jax.experimental import pallas as pl
from jax.experimental.pallas import tpu as pltpu
from jax.experimental.pallas import tpu_sc as plsc

B, D_IN, H, D_OUT, A = 4096, 1024, 2048, 1024, 1000
AP = 1024
BLK = 256
SBLK = 256
NEG_INF = float("-inf")


def _mlp_body(x_ref, w1_ref, b1_ref, w2_ref, b2_ref, w3_ref, b3_ref,
              wf_ref, bf_ref, g_ref, probs_ref, probs_a_ref, logp_ref,
              samp_ref):
    x = x_ref[...]
    h = jnp.maximum(
        jnp.dot(x, w1_ref[...], preferred_element_type=jnp.float32,
                precision=jax.lax.Precision.DEFAULT) + b1_ref[...][None, :], 0.0)
    h = jnp.maximum(
        jnp.dot(h, w2_ref[...], preferred_element_type=jnp.float32,
                precision=jax.lax.Precision.DEFAULT) + b2_ref[...][None, :], 0.0)
    h = jnp.maximum(
        jnp.dot(h, w3_ref[...], preferred_element_type=jnp.float32,
                precision=jax.lax.Precision.DEFAULT) + b3_ref[...][None, :], 0.0)
    logits = jnp.dot(h, wf_ref[...], preferred_element_type=jnp.float32,
                     precision=jax.lax.Precision.DEFAULT) + bf_ref[...][None, :]
    m = jnp.max(logits, axis=1, keepdims=True)
    e = jnp.exp(logits - m)
    s = jnp.sum(e, axis=1, keepdims=True)
    p = e / s
    probs_ref[...] = p
    probs_a_ref[...] = p[:, :A]
    logp_ref[...] = jnp.log(p[:, :A] + (p[:, :A] == 0.0).astype(jnp.float32)
                            * 1e-8)
    z = jnp.log(p + 1e-30) + g_ref[...]
    zm = jnp.max(z, axis=1, keepdims=True)
    iota = jax.lax.broadcasted_iota(jnp.int32, z.shape, 1)
    samp_ref[...] = jnp.min(jnp.where(z == zm, iota, AP), axis=1)


def _sort_body(keys_ref, out_ref):
    keys = keys_ref[...]
    n, cols = keys.shape
    idx = jax.lax.broadcasted_iota(jnp.int32, keys.shape, 0)
    row = jax.lax.broadcasted_iota(jnp.int32, keys.shape, 0)
    for k in range(10):
        dirbit = jax.lax.rem(jax.lax.shift_right_logical(row, k + 1), 2) == 1
        for j in range(k, -1, -1):
            s = 1 << j
            is_b = jax.lax.rem(jax.lax.shift_right_logical(row, j), 2) == 1
            kp = jnp.where(is_b, jnp.roll(keys, s, 0), jnp.roll(keys, -s, 0))
            ip = jnp.where(is_b, jnp.roll(idx, s, 0), jnp.roll(idx, -s, 0))
            self_first = (keys > kp) | ((keys == kp) & (idx < ip))
            keep = self_first ^ is_b ^ dirbit
            keys = jnp.where(keep, keys, kp)
            idx = jnp.where(keep, idx, ip)
    out_ref[...] = idx


NW = 32
ROWS_W = B // NW
RB = 16
NBLK_SC = ROWS_W // RB


def _sc_sort_body(keys_hbm, out_hbm, io_rows, ka, kb, vb, ha, hb):
    wid = lax.axis_index("s") * 2 + lax.axis_index("c")
    lane = lax.iota(jnp.int32, 16)
    lane_row = lane * AP
    ones = jnp.ones((16,), jnp.int32)
    zeros = jnp.zeros((16,), jnp.int32)

    UN = 8
    NP = 1000

    def block(blk, _):
        row0 = wid * ROWS_W + blk * RB
        pltpu.sync_copy(keys_hbm.at[pl.ds(row0 * AP, RB * AP)], io_rows)

        def zero_a(b, _):
            for u in range(8):
                ha[pl.ds((b * 8 + u) * 16, 16)] = zeros
            return 0
        lax.fori_loop(0, AP // 8, zero_a, 0)

        def ph0(i8, _):
            i0 = i8 * UN
            raws = [plsc.load_gather(io_rows, [lane_row + (i0 + u)])
                    for u in range(UN)]
            ikeys = [jnp.int32(0x3FFFFFFF) - r for r in raws]
            hidxs = [lax.bitwise_and(k, 1023) * 16 + lane for k in ikeys]
            for u in range(UN):
                ka[pl.ds((i0 + u) * 16, 16)] = ikeys[u]
            for u in range(UN):
                plsc.addupdate_scatter(ha, [hidxs[u]], ones)
            return 0

        def prefix(hx, hy):
            def pre(b8, acc):
                b0 = b8 * 8
                hs = [hx[pl.ds((b0 + u) * 16, 16)] for u in range(8)]
                for u in range(8):
                    hx[pl.ds((b0 + u) * 16, 16)] = acc
                    if hy is not None:
                        hy[pl.ds((b0 + u) * 16, 16)] = zeros
                    acc = acc + hs[u]
                return acc
            lax.fori_loop(0, AP // 8, pre, zeros)

        def permute(src_k, src_v, dst_k, dst_v, hx, hy, shift):
            def body(i8, _):
                i0 = i8 * UN
                ks = [src_k[pl.ds((i0 + u) * 16, 16)] for u in range(UN)]
                if src_v is None:
                    vs = [zeros + (i0 + u) for u in range(UN)]
                else:
                    vs = [src_v[pl.ds((i0 + u) * 16, 16)] for u in range(UN)]
                hidxs = [
                    lax.bitwise_and(lax.shift_right_logical(k, shift), 1023)
                    * 16 + lane for k in ks]
                offs = []
                for u in range(UN):
                    offs.append(plsc.load_gather(hx, [hidxs[u]]))
                    plsc.addupdate_scatter(hx, [hidxs[u]], ones)
                if dst_k is None:
                    for u in range(UN):
                        plsc.store_scatter(dst_v, [lane_row + offs[u]], vs[u])
                else:
                    didxs = [off * 16 + lane for off in offs]
                    h2s = [lax.bitwise_and(
                        lax.shift_right_logical(k, shift + 10), 1023) * 16
                        + lane for k in ks]
                    for u in range(UN):
                        plsc.store_scatter(dst_k, [didxs[u]], ks[u])
                        plsc.store_scatter(dst_v, [didxs[u]], vs[u])
                        plsc.addupdate_scatter(hy, [h2s[u]], ones)
                return 0
            lax.fori_loop(0, NP // UN, body, 0)

        lax.fori_loop(0, NP // UN, ph0, 0)
        prefix(ha, hb)
        permute(ka, None, kb, vb, ha, hb, 0)
        prefix(hb, ha)
        permute(kb, vb, ka, io_rows, hb, ha, 10)
        prefix(ha, None)
        permute(ka, io_rows, None, kb, ha, None, 20)

        pltpu.sync_copy(kb, out_hbm.at[pl.ds(row0 * AP, RB * AP)])
        return 0

    lax.fori_loop(0, NBLK_SC, block, 0)


@functools.lru_cache(maxsize=1)
def _get_sc_sort():
    return pl.kernel(
        _sc_sort_body,
        mesh=plsc.VectorSubcoreMesh(core_axis_name="c", subcore_axis_name="s"),
        out_type=jax.ShapeDtypeStruct((B * AP,), jnp.int32),
        compiler_params=pltpu.CompilerParams(needs_layout_passes=False),
        scratch_types=[
            pltpu.VMEM((RB * AP,), jnp.int32),
            pltpu.VMEM((AP * RB,), jnp.int32),
            pltpu.VMEM((AP * RB,), jnp.int32),
            pltpu.VMEM((AP * RB,), jnp.int32),
            pltpu.VMEM((AP * RB,), jnp.int32),
            pltpu.VMEM((AP * RB,), jnp.int32),
        ],
    )


@functools.partial(jax.jit, static_argnames=())
def _run(state, W1, b1, W2, b2, W3, b3, Wfp, bfp, g):
    nblk = B // BLK
    probs, probs_a, logp, samp = pl.pallas_call(
        _mlp_body,
        grid=(nblk,),
        in_specs=[
            pl.BlockSpec((BLK, D_IN), lambda i: (i, 0)),
            pl.BlockSpec((D_IN, H), lambda i: (0, 0)),
            pl.BlockSpec((H,), lambda i: (0,)),
            pl.BlockSpec((H, H), lambda i: (0, 0)),
            pl.BlockSpec((H,), lambda i: (0,)),
            pl.BlockSpec((H, D_OUT), lambda i: (0, 0)),
            pl.BlockSpec((D_OUT,), lambda i: (0,)),
            pl.BlockSpec((D_OUT, AP), lambda i: (0, 0)),
            pl.BlockSpec((AP,), lambda i: (0,)),
            pl.BlockSpec((BLK, AP), lambda i: (i, 0)),
        ],
        out_specs=[
            pl.BlockSpec((BLK, AP), lambda i: (i, 0)),
            pl.BlockSpec((BLK, A), lambda i: (i, 0)),
            pl.BlockSpec((BLK, A), lambda i: (i, 0)),
            pl.BlockSpec((BLK,), lambda i: (i,)),
        ],
        out_shape=[
            jax.ShapeDtypeStruct((B, AP), jnp.float32),
            jax.ShapeDtypeStruct((B, A), jnp.float32),
            jax.ShapeDtypeStruct((B, A), jnp.float32),
            jax.ShapeDtypeStruct((B,), jnp.int32),
        ],
    )(state, W1, b1, W2, b2, W3, b3, Wfp, bfp, g)

    keys_flat = jax.lax.bitcast_convert_type(probs, jnp.int32).reshape(B * AP)
    det = _get_sc_sort()(keys_flat).reshape(B, AP)
    return probs_a, logp, samp, det


@functools.lru_cache(maxsize=1)
def _gumbel_pad():
    g = jax.random.gumbel(jax.random.key(42), (B, A), jnp.float32)
    g = jnp.concatenate(
        [g, jnp.full((B, AP - A), NEG_INF, jnp.float32)], axis=1)
    return jax.block_until_ready(g)


def kernel(state, W1, b1, W2, b2, W3, b3, Wf, bf):
    Wfp = jnp.pad(Wf, ((0, 0), (0, AP - A)))
    bfp = jnp.concatenate([bf, jnp.full((AP - A,), NEG_INF, jnp.float32)])
    probs_a, logp, samp, det = _run(state, W1, b1, W2, b2, W3, b3, Wfp, bfp,
                                    _gumbel_pad())
    return (samp[:, None],
            (probs_a, logp),
            det[:, :A])

# --- scband reference (transcript-rebuilt; emitter-appended) ---
"""Pipeline reference for scband-base-actor-20590073217056 (READ-ONLY COPY).

The authoritative reference and input builder live on the scoring server;
editing this copy changes nothing except your own understanding.
"""

import jax, jax.numpy as jnp
import numpy as np

B, D_IN, H, D_OUT, A = 4096, 1024, 2048, 1024, 1000

def setup_inputs(seed: int = 0) -> dict:
    key = jax.random.key(seed)
    ks = jax.random.split(key, 6)
    def w(k, shp, fan):
        return (jax.random.normal(k, shp, dtype=jnp.float32) * (1.0 / np.sqrt(fan))).astype(jnp.float32)
    return {
        "state": jax.random.normal(ks[0], (B, D_IN), dtype=jnp.float32),
        "W1": w(ks[1], (D_IN, H), D_IN), "b1": jnp.zeros((H,), jnp.float32),
        "W2": w(ks[2], (H, H), H),      "b2": jnp.zeros((H,), jnp.float32),
        "W3": w(ks[3], (H, D_OUT), H),  "b3": jnp.zeros((D_OUT,), jnp.float32),
        "Wf": w(ks[4], (D_OUT, A), D_OUT), "bf": jnp.zeros((A,), jnp.float32),
    }

def reference(state, W1, b1, W2, b2, W3, b3, Wf, bf):
    # act_net MLP: Linear+ReLU x3 (hidden sizes 2048,2048 -> output 1024)
    h = jax.nn.relu(state @ W1 + b1)
    h = jax.nn.relu(h @ W2 + b2)
    h = jax.nn.relu(h @ W3 + b3)
    # appended head: Linear(output_size, num_actions) + Softmax(dim=-1)
    logits = h @ Wf + bf
    action_probs = jax.nn.softmax(logits, axis=-1)
    # torch.topk(action_probs, k=num_actions) -> full descending argsort of all actions
    _, deterministic_actions = jax.lax.top_k(action_probs, k=A)
    # torch.multinomial(action_probs, num_samples=1)
    samp_key = jax.random.key(42)
    sampled_actions = jax.random.categorical(samp_key, jnp.log(action_probs + 1e-30), axis=-1)[:, None]
    zero_offset = (action_probs == 0.0).astype(jnp.float32) * 1e-8
    log_action_probs = jnp.log(action_probs + zero_offset)
    return (sampled_actions, (action_probs, log_action_probs), deterministic_actions)

if __name__ == "__main__":
    import jax
    _d = setup_inputs()
    print(jax.jit(kernel)(*tuple(_d.values())))

</pallas_src>

<mosaic_0001>
#map = affine_map<(d0, d1) -> (0)>
module attributes {stable_mosaic.version = 14 : i64} {
  func.func @_sc_sort_body(%arg0: i32, %arg1: i32, %arg2: memref<4194304xi32, #tpu.memory_space<hbm>>, %arg3: memref<4194304xi32, #tpu.memory_space<hbm>>, %arg4: memref<16384xi32, #tpu.memory_space<vmem>>, %arg5: memref<16384xi32, #tpu.memory_space<vmem>>, %arg6: memref<16384xi32, #tpu.memory_space<vmem>>, %arg7: memref<16384xi32, #tpu.memory_space<vmem>>, %arg8: memref<16384xi32, #tpu.memory_space<vmem>>, %arg9: memref<16384xi32, #tpu.memory_space<vmem>>) attributes {dimension_semantics = [#tpu.dimension_semantics<core_parallel>, #tpu.dimension_semantics<subcore_parallel>], iteration_bounds = array<i64: 2, 16>, scalar_prefetch = 0 : i64, scratch_operands = 6 : i64, tpu.core_type = #tpu.core_type<sc_vector_subcore>, window_params = [{transform_indices = #map}, {transform_indices = #map}]} {
    %mul3A = arith.constant 2 : i32
    %mul3A_0 = arith.muli %arg1, %mul3A : i32
    %add3A = arith.addi %mul3A_0, %arg0 : i32
    %iota3A = tpu.iota {dimensions = array<i32: 0>} : vector<16xi32>
    %mul3A_1 = arith.constant 1024 : i32
    %mul3A_2 = vector.broadcast %mul3A_1 : i32 to vector<16xi32>
    %mul3A_3 = arith.muli %iota3A, %mul3A_2 : vector<16xi32>
    %broadcast_in_dim3A = arith.constant 1 : i32
    %broadcast_in_dim3A_4 = vector.broadcast %broadcast_in_dim3A : i32 to vector<16xi32>
    %broadcast_in_dim3A_5 = arith.constant 0 : i32
    %broadcast_in_dim3A_6 = vector.broadcast %broadcast_in_dim3A_5 : i32 to vector<16xi32>
    %scan3A = arith.constant 0 : i32
    %scan3A_7 = arith.constant 0 : i32
    %scan3A_8 = arith.constant 8 : i32
    %scan3A_9 = arith.addi %scan3A_7, %scan3A_8 : i32
    %scan3A_10 = arith.constant 1 : i32
    %scan3A_11 = scf.for %scan3A_13 = %scan3A_7 to %scan3A_9 step %scan3A_10 iter_args(%scan3A_14 = %scan3A) -> (i32)  : i32 {
      %mul3A_15 = arith.constant 128 : i32
      %mul3A_16 = arith.muli %add3A, %mul3A_15 : i32
      %mul3A_17 = arith.constant 16 : i32
      %mul3A_18 = arith.muli %scan3A_13, %mul3A_17 : i32
      %add3A_19 = arith.addi %mul3A_16, %mul3A_18 : i32
      %mul3A_20 = arith.constant 1024 : i32
      %mul3A_21 = arith.muli %add3A_19, %mul3A_20 : i32
      "tpu.region"() ({
        %run_scoped3A = tpu.sem_alloc : memref<!tpu.dma_semaphore, #tpu.memory_space<semaphore_mem>>
        %dma_start3A = tpu.memref_slice %arg2[%mul3A_21] : memref<4194304xi32, #tpu.memory_space<hbm>> -> memref<16384xi32, #tpu.memory_space<hbm>>
        %dma_start3A_78 = tpu.memref_slice %arg2[%mul3A_21] : memref<4194304xi32, #tpu.memory_space<hbm>> -> memref<16384xi32, #tpu.memory_space<hbm>>
        tpu.enqueue_dma source(%dma_start3A_78 : memref<16384xi32, #tpu.memory_space<hbm>>) target(%arg4 : memref<16384xi32, #tpu.memory_space<vmem>>) target_semaphore(%run_scoped3A : memref<!tpu.dma_semaphore, #tpu.memory_space<semaphore_mem>>)
        %dma_wait3A = tpu.memref_slice %arg2[%mul3A_21] : memref<4194304xi32, #tpu.memory_space<hbm>> -> memref<16384xi32, #tpu.memory_space<hbm>>
        %dma_wait3A_79 = tpu.memref_slice %arg2[%mul3A_21] : memref<4194304xi32, #tpu.memory_space<hbm>> -> memref<16384xi32, #tpu.memory_space<hbm>>
        tpu.wait_dma2 semaphore(%run_scoped3A : memref<!tpu.dma_semaphore, #tpu.memory_space<semaphore_mem>>) src(%dma_wait3A_79 : memref<16384xi32, #tpu.memory_space<hbm>>) dst(%arg4 : memref<16384xi32, #tpu.memory_space<vmem>>)
        tpu.yield
      }) : () -> ()
      %scan3A_22 = arith.constant 0 : i32
      %scan3A_23 = arith.constant 0 : i32
      %scan3A_24 = arith.constant 128 : i32
      %scan3A_25 = arith.addi %scan3A_23, %scan3A_24 : i32
      %scan3A_26 = arith.constant 1 : i32
      %scan3A_27 = scf.for %scan3A_78 = %scan3A_23 to %scan3A_25 step %scan3A_26 iter_args(%scan3A_79 = %scan3A_22) -> (i32)  : i32 {
        %mul3A_80 = arith.constant 8 : i32
        %mul3A_81 = arith.muli %scan3A_78, %mul3A_80 : i32
        %add3A_82 = arith.constant 0 : i32
        %add3A_83 = arith.addi %mul3A_81, %add3A_82 : i32
        %mul3A_84 = arith.constant 16 : i32
        %mul3A_85 = arith.muli %add3A_83, %mul3A_84 : i32
        %swap3A = arith.index_cast %mul3A_85 : i32 to index
        %swap3A_86 = tpu.vector_load %arg8[%swap3A] {strides = array<i32>} : memref<16384xi32, #tpu.memory_space<vmem>>, vector<16xi32>,
        tpu.vector_store %arg8[%swap3A], %broadcast_in_dim3A_6 {strides = array<i32>} : memref<16384xi32, #tpu.memory_space<vmem>>, vector<16xi32>,
        %mul3A_87 = arith.constant 8 : i32
        %mul3A_88 = arith.muli %scan3A_78, %mul3A_87 : i32
        %add3A_89 = arith.constant 1 : i32
        %add3A_90 = arith.addi %mul3A_88, %add3A_89 : i32
        %mul3A_91 = arith.constant 16 : i32
        %mul3A_92 = arith.muli %add3A_90, %mul3A_91 : i32
        %swap3A_93 = arith.index_cast %mul3A_92 : i32 to index
        %swap3A_94 = tpu.vector_load %arg8[%swap3A_93] {strides = array<i32>} : memref<16384xi32, #tpu.memory_space<vmem>>, vector<16xi32>,
        tpu.vector_store %arg8[%swap3A_93], %broadcast_in_dim3A_6 {strides = array<i32>} : memref<16384xi32, #tpu.memory_space<vmem>>, vector<16xi32>,
        %mul3A_95 = arith.constant 8 : i32
        %mul3A_96 = arith.muli %scan3A_78, %mul3A_95 : i32
        %add3A_97 = arith.constant 2 : i32
        %add3A_98 = arith.addi %mul3A_96, %add3A_97 : i32
        %mul3A_99 = arith.constant 16 : i32
        %mul3A_100 = arith.muli %add3A_98, %mul3A_99 : i32
        %swap3A_101 = arith.index_cast %mul3A_100 : i32 to index
        %swap3A_102 = tpu.vector_load %arg8[%swap3A_101] {strides = array<i32>} : memref<16384xi32, #tpu.memory_space<vmem>>, vector<16xi32>,
        tpu.vector_store %arg8[%swap3A_101], %broadcast_in_dim3A_6 {strides = array<i32>} : memref<16384xi32, #tpu.memory_space<vmem>>, vector<16xi32>,
        %mul3A_103 = arith.constant 8 : i32
        %mul3A_104 = arith.muli %scan3A_78, %mul3A_103 : i32
        %add3A_105 = arith.constant 3 : i32
        %add3A_106 = arith.addi %mul3A_104, %add3A_105 : i32
        %mul3A_107 = arith.constant 16 : i32
        %mul3A_108 = arith.muli %add3A_106, %mul3A_107 : i32
        %swap3A_109 = arith.index_cast %mul3A_108 : i32 to index
        %swap3A_110 = tpu.vector_load %arg8[%swap3A_109] {strides = array<i32>} : memref<16384xi32, #tpu.memory_space<vmem>>, vector<16xi32>,
        tpu.vector_store %arg8[%swap3A_109], %broadcast_in_dim3A_6 {strides = array<i32>} : memref<16384xi32, #tpu.memory_space<vmem>>, vector<16xi32>,
        %mul3A_111 = arith.constant 8 : i32
        %mul3A_112 = arith.muli %scan3A_78, %mul3A_111 : i32
        %add3A_113 = arith.constant 4 : i32
        %add3A_114 = arith.addi %mul3A_112, %add3A_113 : i32
        %mul3A_115 = arith.constant 16 : i32
        %mul3A_116 = arith.muli %add3A_114, %mul3A_115 : i32
        %swap3A_117 = arith.index_cast %mul3A_116 : i32 to index
        %swap3A_118 = tpu.vector_load %arg8[%swap3A_117] {strides = array<i32>} : memref<16384xi32, #tpu.memory_space<vmem>>, vector<16xi32>,
        tpu.vector_store %arg8[%swap3A_117], %broadcast_in_dim3A_6 {strides = array<i32>} : memref<16384xi32, #tpu.memory_space<vmem>>, vector<16xi32>,
        %mul3A_119 = arith.constant 8 : i32
        %mul3A_120 = arith.muli %scan3A_78, %mul3A_119 : i32
        %add3A_121 = arith.constant 5 : i32
        %add3A_122 = arith.addi %mul3A_120, %add3A_121 : i32
        %mul3A_123 = arith.constant 16 : i32
        %mul3A_124 = arith.muli %add3A_122, %mul3A_123 : i32
        %swap3A_125 = arith.index_cast %mul3A_124 : i32 to index
        %swap3A_126 = tpu.vector_load %arg8[%swap3A_125] {strides = array<i32>} : memref<16384xi32, #tpu.memory_space<vmem>>, vector<16xi32>,
        tpu.vector_store %arg8[%swap3A_125], %broadcast_in_dim3A_6 {strides = array<i32>} : memref<16384xi32, #tpu.memory_space<vmem>>, vector<16xi32>,
        %mul3A_127 = arith.constant 8 : i32
        %mul3A_128 = arith.muli %scan3A_78, %mul3A_127 : i32
        %add3A_129 = arith.constant 6 : i32
        %add3A_130 = arith.addi %mul3A_128, %add3A_129 : i32
        %mul3A_131 = arith.constant 16 : i32
        %mul3A_132 = arith.muli %add3A_130, %mul3A_131 : i32
        %swap3A_133 = arith.index_cast %mul3A_132 : i32 to index
        %swap3A_134 = tpu.vector_load %arg8[%swap3A_133] {strides = array<i32>} : memref<16384xi32, #tpu.memory_space<vmem>>, vector<16xi32>,
        tpu.vector_store %arg8[%swap3A_133], %broadcast_in_dim3A_6 {strides = array<i32>} : memref<16384xi32, #tpu.memory_space<vmem>>, vector<16xi32>,
        %mul3A_135 = arith.constant 8 : i32
        %mul3A_136 = arith.muli %scan3A_78, %mul3A_135 : i32
        %add3A_137 = arith.constant 7 : i32
        %add3A_138 = arith.addi %mul3A_136, %add3A_137 : i32
        %mul3A_139 = arith.constant 16 : i32
        %mul3A_140 = arith.muli %add3A_138, %mul3A_139 : i32
        %swap3A_141 = arith.index_cast %mul3A_140 : i32 to index
        %swap3A_142 = tpu.vector_load %arg8[%swap3A_141] {strides = array<i32>} : memref<16384xi32, #tpu.memory_space<vmem>>, vector<16xi32>,
        tpu.vector_store %arg8[%swap3A_141], %broadcast_in_dim3A_6 {strides = array<i32>} : memref<16384xi32, #tpu.memory_space<vmem>>, vector<16xi32>,
        %scan3A_143 = arith.constant 0 : i32
        scf.yield %scan3A_143 : i32
      }
      %scan3A_28 = arith.constant 128 : i32
      %scan3A_29 = arith.constant 0 : i32
      %scan3A_30 = arith.constant 0 : i32
      %scan3A_31 = arith.constant 125 : i32
      %scan3A_32 = arith.addi %scan3A_30, %scan3A_31 : i32
      %scan3A_33 = arith.constant 1 : i32
      %scan3A_34 = scf.for %scan3A_78 = %scan3A_30 to %scan3A_32 step %scan3A_33 iter_args(%scan3A_79 = %scan3A_29) -> (i32)  : i32 {
        %mul3A_80 = arith.constant 8 : i32
        %mul3A_81 = arith.muli %scan3A_78, %mul3A_80 : i32
        %add3A_82 = arith.constant 0 : i32
        %add3A_83 = arith.addi %mul3A_81, %add3A_82 : i32
        %add3A_84 = vector.broadcast %add3A_83 : i32 to vector<16xi32>
        %add3A_85 = arith.addi %mul3A_3, %add3A_84 : vector<16xi32>
        %gather3A = tpu.vector_load_idx %arg4[%add3A_85] : memref<16384xi32, #tpu.memory_space<vmem>>[vector<16xi32>], vector<16xi32>,
        %add3A_86 = arith.constant 1 : i32
        %add3A_87 = arith.addi %mul3A_81, %add3A_86 : i32
        %add3A_88 = vector.broadcast %add3A_87 : i32 to vector<16xi32>
        %add3A_89 = arith.addi %mul3A_3, %add3A_88 : vector<16xi32>
        %gather3A_90 = tpu.vector_load_idx %arg4[%add3A_89] : memref<16384xi32, #tpu.memory_space<vmem>>[vector<16xi32>], vector<16xi32>,
        %add3A_91 = arith.constant 2 : i32
        %add3A_92 = arith.addi %mul3A_81, %add3A_91 : i32
        %add3A_93 = vector.broadcast %add3A_92 : i32 to vector<16xi32>
        %add3A_94 = arith.addi %mul3A_3, %add3A_93 : vector<16xi32>
        %gather3A_95 = tpu.vector_load_idx %arg4[%add3A_94] : memref<16384xi32, #tpu.memory_space<vmem>>[vector<16xi32>], vector<16xi32>,
        %add3A_96 = arith.constant 3 : i32
        %add3A_97 = arith.addi %mul3A_81, %add3A_96 : i32
        %add3A_98 = vector.broadcast %add3A_97 : i32 to vector<16xi32>
        %add3A_99 = arith.addi %mul3A_3, %add3A_98 : vector<16xi32>
        %gather3A_100 = tpu.vector_load_idx %arg4[%add3A_99] : memref<16384xi32, #tpu.memory_space<vmem>>[vector<16xi32>], vector<16xi32>,
        %add3A_101 = arith.constant 4 : i32
        %add3A_102 = arith.addi %mul3A_81, %add3A_101 : i32
        %add3A_103 = vector.broadcast %add3A_102 : i32 to vector<16xi32>
        %add3A_104 = arith.addi %mul3A_3, %add3A_103 : vector<16xi32>
        %gather3A_105 = tpu.vector_load_idx %arg4[%add3A_104] : memref<16384xi32, #tpu.memory_space<vmem>>[vector<16xi32>], vector<16xi32>,
        %add3A_106 = arith.constant 5 : i32
        %add3A_107 = arith.addi %mul3A_81, %add3A_106 : i32
        %add3A_108 = vector.broadcast %add3A_107 : i32 to vector<16xi32>
        %add3A_109 = arith.addi %mul3A_3, %add3A_108 : vector<16xi32>
        %gather3A_110 = tpu.vector_load_idx %arg4[%add3A_109] : memref<16384xi32, #tpu.memory_space<vmem>>[vector<16xi32>], vector<16xi32>,
        %add3A_111 = arith.constant 6 : i32
        %add3A_112 = arith.addi %mul3A_81, %add3A_111 : i32
        %add3A_113 = vector.broadcast %add3A_112 : i32 to vector<16xi32>
        %add3A_114 = arith.addi %mul3A_3, %add3A_113 : vector<16xi32>
        %gather3A_115 = tpu.vector_load_idx %arg4[%add3A_114] : memref<16384xi32, #tpu.memory_space<vmem>>[vector<16xi32>], vector<16xi32>,
        %add3A_116 = arith.constant 7 : i32
        %add3A_117 = arith.addi %mul3A_81, %add3A_116 : i32
        %add3A_118 = vector.broadcast %add3A_117 : i32 to vector<16xi32>
        %add3A_119 = arith.addi %mul3A_3, %add3A_118 : vector<16xi32>
        %gather3A_120 = tpu.vector_load_idx %arg4[%add3A_119] : memref<16384xi32, #tpu.memory_space<vmem>>[vector<16xi32>], vector<16xi32>,
        %sub3A = arith.constant 1073741823 : i32
        %sub3A_121 = vector.broadcast %sub3A : i32 to vector<16xi32>
        %sub3A_122 = arith.subi %sub3A_121, %gather3A : vector<16xi32>
        %sub3A_123 = arith.constant 1073741823 : i32
        %sub3A_124 = vector.broadcast %sub3A_123 : i32 to vector<16xi32>
        %sub3A_125 = arith.subi %sub3A_124, %gather3A_90 : vector<16xi32>
        %sub3A_126 = arith.constant 1073741823 : i32
        %sub3A_127 = vector.broadcast %sub3A_126 : i32 to vector<16xi32>
        %sub3A_128 = arith.subi %sub3A_127, %gather3A_95 : vector<16xi32>
        %sub3A_129 = arith.constant 1073741823 : i32
        %sub3A_130 = vector.broadcast %sub3A_129 : i32 to vector<16xi32>
        %sub3A_131 = arith.subi %sub3A_130, %gather3A_100 : vector<16xi32>
        %sub3A_132 = arith.constant 1073741823 : i32
        %sub3A_133 = vector.broadcast %sub3A_132 : i32 to vector<16xi32>
        %sub3A_134 = arith.subi %sub3A_133, %gather3A_105 : vector<16xi32>
        %sub3A_135 = arith.constant 1073741823 : i32
        %sub3A_136 = vector.broadcast %sub3A_135 : i32 to vector<16xi32>
        %sub3A_137 = arith.subi %sub3A_136, %gather3A_110 : vector<16xi32>
        %sub3A_138 = arith.constant 1073741823 : i32
        %sub3A_139 = vector.broadcast %sub3A_138 : i32 to vector<16xi32>
        %sub3A_140 = arith.subi %sub3A_139, %gather3A_115 : vector<16xi32>
        %sub3A_141 = arith.constant 1073741823 : i32
        %sub3A_142 = vector.broadcast %sub3A_141 : i32 to vector<16xi32>
        %sub3A_143 = arith.subi %sub3A_142, %gather3A_120 : vector<16xi32>
        %and3A = arith.constant 1023 : i32
        %and3A_144 = vector.broadcast %and3A : i32 to vector<16xi32>
        %and3A_145 = arith.andi %sub3A_122, %and3A_144 : vector<16xi32>
        %mul3A_146 = arith.constant 16 : i32
        %mul3A_147 = vector.broadcast %mul3A_146 : i32 to vector<16xi32>
        %mul3A_148 = arith.muli %and3A_145, %mul3A_147 : vector<16xi32>
        %add3A_149 = arith.addi %mul3A_148, %iota3A : vector<16xi32>
        %and3A_150 = arith.constant 1023 : i32
        %and3A_151 = vector.broadcast %and3A_150 : i32 to vector<16xi32>
        %and3A_152 = arith.andi %sub3A_125, %and3A_151 : vector<16xi32>
        %mul3A_153 = arith.constant 16 : i32
        %mul3A_154 = vector.broadcast %mul3A_153 : i32 to vector<16xi32>
        %mul3A_155 = arith.muli %and3A_152, %mul3A_154 : vector<16xi32>
        %add3A_156 = arith.addi %mul3A_155, %iota3A : vector<16xi32>
        %and3A_157 = arith.constant 1023 : i32
        %and3A_158 = vector.broadcast %and3A_157 : i32 to vector<16xi32>
        %and3A_159 = arith.andi %sub3A_128, %and3A_158 : vector<16xi32>
        %mul3A_160 = arith.constant 16 : i32
        %mul3A_161 = vector.broadcast %mul3A_160 : i32 to vector<16xi32>
        %mul3A_162 = arith.muli %and3A_159, %mul3A_161 : vector<16xi32>
        %add3A_163 = arith.addi %mul3A_162, %iota3A : vector<16xi32>
        %and3A_164 = arith.constant 1023 : i32
        %and3A_165 = vector.broadcast %and3A_164 : i32 to vector<16xi32>
        %and3A_166 = arith.andi %sub3A_131, %and3A_165 : vector<16xi32>
        %mul3A_167 = arith.constant 16 : i32
        %mul3A_168 = vector.broadcast %mul3A_167 : i32 to vector<16xi32>
        %mul3A_169 = arith.muli %and3A_166, %mul3A_168 : vector<16xi32>
        %add3A_170 = arith.addi %mul3A_169, %iota3A : vector<16xi32>
        %and3A_171 = arith.constant 1023 : i32
        %and3A_172 = vector.broadcast %and3A_171 : i32 to vector<16xi32>
        %and3A_173 = arith.andi %sub3A_134, %and3A_172 : vector<16xi32>
        %mul3A_174 = arith.constant 16 : i32
        %mul3A_175 = vector.broadcast %mul3A_174 : i32 to vector<16xi32>
        %mul3A_176 = arith.muli %and3A_173, %mul3A_175 : vector<16xi32>
        %add3A_177 = arith.addi %mul3A_176, %iota3A : vector<16xi32>
        %and3A_178 = arith.constant 1023 : i32
        %and3A_179 = vector.broadcast %and3A_178 : i32 to vector<16xi32>
        %and3A_180 = arith.andi %sub3A_137, %and3A_179 : vector<16xi32>
        %mul3A_181 = arith.constant 16 : i32
        %mul3A_182 = vector.broadcast %mul3A_181 : i32 to vector<16xi32>
        %mul3A_183 = arith.muli %and3A_180, %mul3A_182 : vector<16xi32>
        %add3A_184 = arith.addi %mul3A_183, %iota3A : vector<16xi32>
        %and3A_185 = arith.constant 1023 : i32
        %and3A_186 = vector.broadcast %and3A_185 : i32 to vector<16xi32>
        %and3A_187 = arith.andi %sub3A_140, %and3A_186 : vector<16xi32>
        %mul3A_188 = arith.constant 16 : i32
        %mul3A_189 = vector.broadcast %mul3A_188 : i32 to vector<16xi32>
        %mul3A_190 = arith.muli %and3A_187, %mul3A_189 : vector<16xi32>
        %add3A_191 = arith.addi %mul3A_190, %iota3A : vector<16xi32>
        %and3A_192 = arith.constant 1023 : i32
        %and3A_193 = vector.broadcast %and3A_192 : i32 to vector<16xi32>
        %and3A_194 = arith.andi %sub3A_143, %and3A_193 : vector<16xi32>
        %mul3A_195 = arith.constant 16 : i32
        %mul3A_196 = vector.broadcast %mul3A_195 : i32 to vector<16xi32>
        %mul3A_197 = arith.muli %and3A_194, %mul3A_196 : vector<16xi32>
        %add3A_198 = arith.addi %mul3A_197, %iota3A : vector<16xi32>
        %add3A_199 = arith.constant 0 : i32
        %add3A_200 = arith.addi %mul3A_81, %add3A_199 : i32
        %mul3A_201 = arith.constant 16 : i32
        %mul3A_202 = arith.muli %add3A_200, %mul3A_201 : i32
        %swap3A = arith.index_cast %mul3A_202 : i32 to index
        %swap3A_203 = tpu.vector_load %arg5[%swap3A] {strides = array<i32>} : memref<16384xi32, #tpu.memory_space<vmem>>, vector<16xi32>,
        tpu.vector_store %arg5[%swap3A], %sub3A_122 {strides = array<i32>} : memref<16384xi32, #tpu.memory_space<vmem>>, vector<16xi32>,
        %add3A_204 = arith.constant 1 : i32
        %add3A_205 = arith.addi %mul3A_81, %add3A_204 : i32
        %mul3A_206 = arith.constant 16 : i32
        %mul3A_207 = arith.muli %add3A_205, %mul3A_206 : i32
        %swap3A_208 = arith.index_cast %mul3A_207 : i32 to index
        %swap3A_209 = tpu.vector_load %arg5[%swap3A_208] {strides = array<i32>} : memref<16384xi32, #tpu.memory_space<vmem>>, vector<16xi32>,
        tpu.vector_store %arg5[%swap3A_208], %sub3A_125 {strides = array<i32>} : memref<16384xi32, #tpu.memory_space<vmem>>, vector<16xi32>,
        %add3A_210 = arith.constant 2 : i32
        %add3A_211 = arith.addi %mul3A_81, %add3A_210 : i32
        %mul3A_212 = arith.constant 16 : i32
        %mul3A_213 = arith.muli %add3A_211, %mul3A_212 : i32
        %swap3A_214 = arith.index_cast %mul3A_213 : i32 to index
        %swap3A_215 = tpu.vector_load %arg5[%swap3A_214] {strides = array<i32>} : memref<16384xi32, #tpu.memory_space<vmem>>, vector<16xi32>,
        tpu.vector_store %arg5[%swap3A_214], %sub3A_128 {strides = array<i32>} : memref<16384xi32, #tpu.memory_space<vmem>>, vector<16xi32>,
        %add3A_216 = arith.constant 3 : i32
        %add3A_217 = arith.addi %mul3A_81, %add3A_216 : i32
        %mul3A_218 = arith.constant 16 : i32
        %mul3A_219 = arith.muli %add3A_217, %mul3A_218 : i32
        %swap3A_220 = arith.index_cast %mul3A_219 : i32 to index
        %swap3A_221 = tpu.vector_load %arg5[%swap3A_220] {strides = array<i32>} : memref<16384xi32, #tpu.memory_space<vmem>>, vector<16xi32>,
        tpu.vector_store %arg5[%swap3A_220], %sub3A_131 {strides = array<i32>} : memref<16384xi32, #tpu.memory_space<vmem>>, vector<16xi32>,
        %add3A_222 = arith.constant 4 : i32
        %add3A_223 = arith.addi %mul3A_81, %add3A_222 : i32
        %mul3A_224 = arith.constant 16 : i32
        %mul3A_225 = arith.muli %add3A_223, %mul3A_224 : i32
        %swap3A_226 = arith.index_cast %mul3A_225 : i32 to index
        %swap3A_227 = tpu.vector_load %arg5[%swap3A_226] {strides = array<i32>} : memref<16384xi32, #tpu.memory_space<vmem>>, vector<16xi32>,
        tpu.vector_store %arg5[%swap3A_226], %sub3A_134 {strides = array<i32>} : memref<16384xi32, #tpu.memory_space<vmem>>, vector<16xi32>,
        %add3A_228 = arith.constant 5 : i32
        %add3A_229 = arith.addi %mul3A_81, %add3A_228 : i32
        %mul3A_230 = arith.constant 16 : i32
        %mul3A_231 = arith.muli %add3A_229, %mul3A_230 : i32
        %swap3A_232 = arith.index_cast %mul3A_231 : i32 to index
        %swap3A_233 = tpu.vector_load %arg5[%swap3A_232] {strides = array<i32>} : memref<16384xi32, #tpu.memory_space<vmem>>, vector<16xi32>,
        tpu.vector_store %arg5[%swap3A_232], %sub3A_137 {strides = array<i32>} : memref<16384xi32, #tpu.memory_space<vmem>>, vector<16xi32>,
        %add3A_234 = arith.constant 6 : i32
        %add3A_235 = arith.addi %mul3A_81, %add3A_234 : i32
        %mul3A_236 = arith.constant 16 : i32
        %mul3A_237 = arith.muli %add3A_235, %mul3A_236 : i32
        %swap3A_238 = arith.index_cast %mul3A_237 : i32 to index
        %swap3A_239 = tpu.vector_load %arg5[%swap3A_238] {strides = array<i32>} : memref<16384xi32, #tpu.memory_space<vmem>>, vector<16xi32>,
        tpu.vector_store %arg5[%swap3A_238], %sub3A_140 {strides = array<i32>} : memref<16384xi32, #tpu.memory_space<vmem>>, vector<16xi32>,
        %add3A_240 = arith.constant 7 : i32
        %add3A_241 = arith.addi %mul3A_81, %add3A_240 : i32
        %mul3A_242 = arith.constant 16 : i32
        %mul3A_243 = arith.muli %add3A_241, %mul3A_242 : i32
        %swap3A_244 = arith.index_cast %mul3A_243 : i32 to index
        %swap3A_245 = tpu.vector_load %arg5[%swap3A_244] {strides = array<i32>} : memref<16384xi32, #tpu.memory_space<vmem>>, vector<16xi32>,
        tpu.vector_store %arg5[%swap3A_244], %sub3A_143 {strides = array<i32>} : memref<16384xi32, #tpu.memory_space<vmem>>, vector<16xi32>,
        tpu.vector_store_idx %arg8[%add3A_149], %broadcast_in_dim3A_4 {add = true} : memref<16384xi32, #tpu.memory_space<vmem>>[vector<16xi32>], vector<16xi32>,
        tpu.vector_store_idx %arg8[%add3A_156], %broadcast_in_dim3A_4 {add = true} : memref<16384xi32, #tpu.memory_space<vmem>>[vector<16xi32>], vector<16xi32>,
        tpu.vector_store_idx %arg8[%add3A_163], %broadcast_in_dim3A_4 {add = true} : memref<16384xi32, #tpu.memory_space<vmem>>[vector<16xi32>], vector<16xi32>,
        tpu.vector_store_idx %arg8[%add3A_170], %broadcast_in_dim3A_4 {add = true} : memref<16384xi32, #tpu.memory_space<vmem>>[vector<16xi32>], vector<16xi32>,
        tpu.vector_store_idx %arg8[%add3A_177], %broadcast_in_dim3A_4 {add = true} : memref<16384xi32, #tpu.memory_space<vmem>>[vector<16xi32>], vector<16xi32>,
        tpu.vector_store_idx %arg8[%add3A_184], %broadcast_in_dim3A_4 {add = true} : memref<16384xi32, #tpu.memory_space<vmem>>[vector<16xi32>], vector<16xi32>,
        tpu.vector_store_idx %arg8[%add3A_191], %broadcast_in_dim3A_4 {add = true} : memref<16384xi32, #tpu.memory_space<vmem>>[vector<16xi32>], vector<16xi32>,
        tpu.vector_store_idx %arg8[%add3A_198], %broadcast_in_dim3A_4 {add = true} : memref<16384xi32, #tpu.memory_space<vmem>>[vector<16xi32>], vector<16xi32>,
        %scan3A_246 = arith.constant 0 : i32
        scf.yield %scan3A_246 : i32
      }
      %scan3A_35 = arith.constant 125 : i32
      %scan3A_36 = arith.constant 0 : i32
      %scan3A_37 = arith.constant 128 : i32
      %scan3A_38 = arith.addi %scan3A_36, %scan3A_37 : i32
      %scan3A_39 = arith.constant 1 : i32
      %scan3A_40 = scf.for %scan3A_78 = %scan3A_36 to %scan3A_38 step %scan3A_39 iter_args(%scan3A_79 = %broadcast_in_dim3A_6) -> (vector<16xi32>)  : i32 {
        %mul3A_80 = arith.constant 8 : i32
        %mul3A_81 = arith.muli %scan3A_78, %mul3A_80 : i32
        %add3A_82 = arith.constant 0 : i32
        %add3A_83 = arith.addi %mul3A_81, %add3A_82 : i32
        %mul3A_84 = arith.constant 16 : i32
        %mul3A_85 = arith.muli %add3A_83, %mul3A_84 : i32
        %get3A = arith.index_cast %mul3A_85 : i32 to index
        %get3A_86 = tpu.vector_load %arg8[%get3A] {strides = array<i32>} : memref<16384xi32, #tpu.memory_space<vmem>>, vector<16xi32>,
        %add3A_87 = arith.constant 1 : i32
        %add3A_88 = arith.addi %mul3A_81, %add3A_87 : i32
        %mul3A_89 = arith.constant 16 : i32
        %mul3A_90 = arith.muli %add3A_88, %mul3A_89 : i32
        %get3A_91 = arith.index_cast %mul3A_90 : i32 to index
        %get3A_92 = tpu.vector_load %arg8[%get3A_91] {strides = array<i32>} : memref<16384xi32, #tpu.memory_space<vmem>>, vector<16xi32>,
        %add3A_93 = arith.constant 2 : i32
        %add3A_94 = arith.addi %mul3A_81, %add3A_93 : i32
        %mul3A_95 = arith.constant 16 : i32
        %mul3A_96 = arith.muli %add3A_94, %mul3A_95 : i32
        %get3A_97 = arith.index_cast %mul3A_96 : i32 to index
        %get3A_98 = tpu.vector_load %arg8[%get3A_97] {strides = array<i32>} : memref<16384xi32, #tpu.memory_space<vmem>>, vector<16xi32>,
        %add3A_99 = arith.constant 3 : i32
        %add3A_100 = arith.addi %mul3A_81, %add3A_99 : i32
        %mul3A_101 = arith.constant 16 : i32
        %mul3A_102 = arith.muli %add3A_100, %mul3A_101 : i32
        %get3A_103 = arith.index_cast %mul3A_102 : i32 to index
        %get3A_104 = tpu.vector_load %arg8[%get3A_103] {strides = array<i32>} : memref<16384xi32, #tpu.memory_space<vmem>>, vector<16xi32>,
        %add3A_105 = arith.constant 4 : i32
        %add3A_106 = arith.addi %mul3A_81, %add3A_105 : i32
        %mul3A_107 = arith.constant 16 : i32
        %mul3A_108 = arith.muli %add3A_106, %mul3A_107 : i32
        %get3A_109 = arith.index_cast %mul3A_108 : i32 to index
        %get3A_110 = tpu.vector_load %arg8[%get3A_109] {strides = array<i32>} : memref<16384xi32, #tpu.memory_space<vmem>>, vector<16xi32>,
        %add3A_111 = arith.constant 5 : i32
        %add3A_112 = arith.addi %mul3A_81, %add3A_111 : i32
        %mul3A_113 = arith.constant 16 : i32
        %mul3A_114 = arith.muli %add3A_112, %mul3A_113 : i32
        %get3A_115 = arith.index_cast %mul3A_114 : i32 to index
        %get3A_116 = tpu.vector_load %arg8[%get3A_115] {strides = array<i32>} : memref<16384xi32, #tpu.memory_space<vmem>>, vector<16xi32>,
        %add3A_117 = arith.constant 6 : i32
        %add3A_118 = arith.addi %mul3A_81, %add3A_117 : i32
        %mul3A_119 = arith.constant 16 : i32
        %mul3A_120 = arith.muli %add3A_118, %mul3A_119 : i32
        %get3A_121 = arith.index_cast %mul3A_120 : i32 to index
        %get3A_122 = tpu.vector_load %arg8[%get3A_121] {strides = array<i32>} : memref<16384xi32, #tpu.memory_space<vmem>>, vector<16xi32>,
        %add3A_123 = arith.constant 7 : i32
        %add3A_124 = arith.addi %mul3A_81, %add3A_123 : i32
        %mul3A_125 = arith.constant 16 : i32
        %mul3A_126 = arith.muli %add3A_124, %mul3A_125 : i32
        %get3A_127 = arith.index_cast %mul3A_126 : i32 to index
        %get3A_128 = tpu.vector_load %arg8[%get3A_127] {strides = array<i32>} : memref<16384xi32, #tpu.memory_space<vmem>>, vector<16xi32>,
        %add3A_129 = arith.constant 0 : i32
        %add3A_130 = arith.addi %mul3A_81, %add3A_129 : i32
        %mul3A_131 = arith.constant 16 : i32
        %mul3A_132 = arith.muli %add3A_130, %mul3A_131 : i32
        %swap3A = arith.index_cast %mul3A_132 : i32 to index
        %swap3A_133 = tpu.vector_load %arg8[%swap3A] {strides = array<i32>} : memref<16384xi32, #tpu.memory_space<vmem>>, vector<16xi32>,
        tpu.vector_store %arg8[%swap3A], %scan3A_79 {strides = array<i32>} : memref<16384xi32, #tpu.memory_space<vmem>>, vector<16xi32>,
        %add3A_134 = arith.constant 0 : i32
        %add3A_135 = arith.addi %mul3A_81, %add3A_134 : i32
        %mul3A_136 = arith.constant 16 : i32
        %mul3A_137 = arith.muli %add3A_135, %mul3A_136 : i32
        %swap3A_138 = arith.index_cast %mul3A_137 : i32 to index
        %swap3A_139 = tpu.vector_load %arg9[%swap3A_138] {strides = array<i32>} : memref<16384xi32, #tpu.memory_space<vmem>>, vector<16xi32>,
        tpu.vector_store %arg9[%swap3A_138], %broadcast_in_dim3A_6 {strides = array<i32>} : memref<16384xi32, #tpu.memory_space<vmem>>, vector<16xi32>,
        %add3A_140 = arith.addi %scan3A_79, %get3A_86 : vector<16xi32>
        %add3A_141 = arith.constant 1 : i32
        %add3A_142 = arith.addi %mul3A_81, %add3A_141 : i32
        %mul3A_143 = arith.constant 16 : i32
        %mul3A_144 = arith.muli %add3A_142, %mul3A_143 : i32
        %swap3A_145 = arith.index_cast %mul3A_144 : i32 to index
        %swap3A_146 = tpu.vector_load %arg8[%swap3A_145] {strides = array<i32>} : memref<16384xi32, #tpu.memory_space<vmem>>, vector<16xi32>,
        tpu.vector_store %arg8[%swap3A_145], %add3A_140 {strides = array<i32>} : memref<16384xi32, #tpu.memory_space<vmem>>, vector<16xi32>,
        %add3A_147 = arith.constant 1 : i32
        %add3A_148 = arith.addi %mul3A_81, %add3A_147 : i32
        %mul3A_149 = arith.constant 16 : i32
        %mul3A_150 = arith.muli %add3A_148, %mul3A_149 : i32
        %swap3A_151 = arith.index_cast %mul3A_150 : i32 to index
        %swap3A_152 = tpu.vector_load %arg9[%swap3A_151] {strides = array<i32>} : memref<16384xi32, #tpu.memory_space<vmem>>, vector<16xi32>,
        tpu.vector_store %arg9[%swap3A_151], %broadcast_in_dim3A_6 {strides = array<i32>} : memref<16384xi32, #tpu.memory_space<vmem>>, vector<16xi32>,
        %add3A_153 = arith.addi %add3A_140, %get3A_92 : vector<16xi32>
        %add3A_154 = arith.constant 2 : i32
        %add3A_155 = arith.addi %mul3A_81, %add3A_154 : i32
        %mul3A_156 = arith.constant 16 : i32
        %mul3A_157 = arith.muli %add3A_155, %mul3A_156 : i32
        %swap3A_158 = arith.index_cast %mul3A_157 : i32 to index
        %swap3A_159 = tpu.vector_load %arg8[%swap3A_158] {strides = array<i32>} : memref<16384xi32, #tpu.memory_space<vmem>>, vector<16xi32>,
        tpu.vector_store %arg8[%swap3A_158], %add3A_153 {strides = array<i32>} : memref<16384xi32, #tpu.memory_space<vmem>>, vector<16xi32>,
        %add3A_160 = arith.constant 2 : i32
        %add3A_161 = arith.addi %mul3A_81, %add3A_160 : i32
        %mul3A_162 = arith.constant 16 : i32
        %mul3A_163 = arith.muli %add3A_161, %mul3A_162 : i32
        %swap3A_164 = arith.index_cast %mul3A_163 : i32 to index
        %swap3A_165 = tpu.vector_load %arg9[%swap3A_164] {strides = array<i32>} : memref<16384xi32, #tpu.memory_space<vmem>>, vector<16xi32>,
        tpu.vector_store %arg9[%swap3A_164], %broadcast_in_dim3A_6 {strides = array<i32>} : memref<16384xi32, #tpu.memory_space<vmem>>, vector<16xi32>,
        %add3A_166 = arith.addi %add3A_153, %get3A_98 : vector<16xi32>
        %add3A_167 = arith.constant 3 : i32
        %add3A_168 = arith.addi %mul3A_81, %add3A_167 : i32
        %mul3A_169 = arith.constant 16 : i32
        %mul3A_170 = arith.muli %add3A_168, %mul3A_169 : i32
        %swap3A_171 = arith.index_cast %mul3A_170 : i32 to index
        %swap3A_172 = tpu.vector_load %arg8[%swap3A_171] {strides = array<i32>} : memref<16384xi32, #tpu.memory_space<vmem>>, vector<16xi32>,
        tpu.vector_store %arg8[%swap3A_171], %add3A_166 {strides = array<i32>} : memref<16384xi32, #tpu.memory_space<vmem>>, vector<16xi32>,
        %add3A_173 = arith.constant 3 : i32
        %add3A_174 = arith.addi %mul3A_81, %add3A_173 : i32
        %mul3A_175 = arith.constant 16 : i32
        %mul3A_176 = arith.muli %add3A_174, %mul3A_175 : i32
        %swap3A_177 = arith.index_cast %mul3A_176 : i32 to index
        %swap3A_178 = tpu.vector_load %arg9[%swap3A_177] {strides = array<i32>} : memref<16384xi32, #tpu.memory_space<vmem>>, vector<16xi32>,
        tpu.vector_store %arg9[%swap3A_177], %broadcast_in_dim3A_6 {strides = array<i32>} : memref<16384xi32, #tpu.memory_space<vmem>>, vector<16xi32>,
        %add3A_179 = arith.addi %add3A_166, %get3A_104 : vector<16xi32>
        %add3A_180 = arith.constant 4 : i32
        %add3A_181 = arith.addi %mul3A_81, %add3A_180 : i32
        %mul3A_182 = arith.constant 16 : i32
        %mul3A_183 = arith.muli %add3A_181, %mul3A_182 : i32
        %swap3A_184 = arith.index_cast %mul3A_183 : i32 to index
        %swap3A_185 = tpu.vector_load %arg8[%swap3A_184] {strides = array<i32>} : memref<16384xi32, #tpu.memory_space<vmem>>, vector<16xi32>,
        tpu.vector_store %arg8[%swap3A_184], %add3A_179 {strides = array<i32>} : memref<16384xi32, #tpu.memory_space<vmem>>, vector<16xi32>,
        %add3A_186 = arith.constant 4 : i32
        %add3A_187 = arith.addi %mul3A_81, %add3A_186 : i32
        %mul3A_188 = arith.constant 16 : i32
        %mul3A_189 = arith.muli %add3A_187, %mul3A_188 : i32
        %swap3A_190 = arith.index_cast %mul3A_189 : i32 to index
        %swap3A_191 = tpu.vector_load %arg9[%swap3A_190] {strides = array<i32>} : memref<16384xi32, #tpu.memory_space<vmem>>, vector<16xi32>,
        tpu.vector_store %arg9[%swap3A_190], %broadcast_in_dim3A_6 {strides = array<i32>} : memref<16384xi32, #tpu.memory_space<vmem>>, vector<16xi32>,
        %add3A_192 = arith.addi %add3A_179, %get3A_110 : vector<16xi32>
        %add3A_193 = arith.constant 5 : i32
        %add3A_194 = arith.addi %mul3A_81, %add3A_193 : i32
        %mul3A_195 = arith.constant 16 : i32
        %mul3A_196 = arith.muli %add3A_194, %mul3A_195 : i32
        %swap3A_197 = arith.index_cast %mul3A_196 : i32 to index
        %swap3A_198 = tpu.vector_load %arg8[%swap3A_197] {strides = array<i32>} : memref<16384xi32, #tpu.memory_space<vmem>>, vector<16xi32>,
        tpu.vector_store %arg8[%swap3A_197], %add3A_192 {strides = array<i32>} : memref<16384xi32, #tpu.memory_space<vmem>>, vector<16xi32>,
        %add3A_199 = arith.constant 5 : i32
        %add3A_200 = arith.addi %mul3A_81, %add3A_199 : i32
        %mul3A_201 = arith.constant 16 : i32
        %mul3A_202 = arith.muli %add3A_200, %mul3A_201 : i32
        %swap3A_203 = arith.index_cast %mul3A_202 : i32 to index
        %swap3A_204 = tpu.vector_load %arg9[%swap3A_203] {strides = array<i32>} : memref<16384xi32, #tpu.memory_space<vmem>>, vector<16xi32>,
        tpu.vector_store %arg9[%swap3A_203], %broadcast_in_dim3A_6 {strides = array<i32>} : memref<16384xi32, #tpu.memory_space<vmem>>, vector<16xi32>,
        %add3A_205 = arith.addi %add3A_192, %get3A_116 : vector<16xi32>
        %add3A_206 = arith.constant 6 : i32
        %add3A_207 = arith.addi %mul3A_81, %add3A_206 : i32
        %mul3A_208 = arith.constant 16 : i32
        %mul3A_209 = arith.muli %add3A_207, %mul3A_208 : i32
        %swap3A_210 = arith.index_cast %mul3A_209 : i32 to index
        %swap3A_211 = tpu.vector_load %arg8[%swap3A_210] {strides = array<i32>} : memref<16384xi32, #tpu.memory_space<vmem>>, vector<16xi32>,
        tpu.vector_store %arg8[%swap3A_210], %add3A_205 {strides = array<i32>} : memref<16384xi32, #tpu.memory_space<vmem>>, vector<16xi32>,
        %add3A_212 = arith.constant 6 : i32
        %add3A_213 = arith.addi %mul3A_81, %add3A_212 : i32
        %mul3A_214 = arith.constant 16 : i32
        %mul3A_215 = arith.muli %add3A_213, %mul3A_214 : i32
        %swap3A_216 = arith.index_cast %mul3A_215 : i32 to index
        %swap3A_217 = tpu.vector_load %arg9[%swap3A_216] {strides = array<i32>} : memref<16384xi32, #tpu.memory_space<vmem>>, vector<16xi32>,
        tpu.vector_store %arg9[%swap3A_216], %broadcast_in_dim3A_6 {strides = array<i32>} : memref<16384xi32, #tpu.memory_space<vmem>>, vector<16xi32>,
        %add3A_218 = arith.addi %add3A_205, %get3A_122 : vector<16xi32>
        %add3A_219 = arith.constant 7 : i32
        %add3A_220 = arith.addi %mul3A_81, %add3A_219 : i32
        %mul3A_221 = arith.constant 16 : i32
        %mul3A_222 = arith.muli %add3A_220, %mul3A_221 : i32
        %swap3A_223 = arith.index_cast %mul3A_222 : i32 to index
        %swap3A_224 = tpu.vector_load %arg8[%swap3A_223] {strides = array<i32>} : memref<16384xi32, #tpu.memory_space<vmem>>, vector<16xi32>,
        tpu.vector_store %arg8[%swap3A_223], %add3A_218 {strides = array<i32>} : memref<16384xi32, #tpu.memory_space<vmem>>, vector<16xi32>,
        %add3A_225 = arith.constant 7 : i32
        %add3A_226 = arith.addi %mul3A_81, %add3A_225 : i32
        %mul3A_227 = arith.constant 16 : i32
        %mul3A_228 = arith.muli %add3A_226, %mul3A_227 : i32
        %swap3A_229 = arith.index_cast %mul3A_228 : i32 to index
        %swap3A_230 = tpu.vector_load %arg9[%swap3A_229] {strides = array<i32>} : memref<16384xi32, #tpu.memory_space<vmem>>, vector<16xi32>,
        tpu.vector_store %arg9[%swap3A_229], %broadcast_in_dim3A_6 {strides = array<i32>} : memref<16384xi32, #tpu.memory_space<vmem>>, vector<16xi32>,
        %add3A_231 = arith.addi %add3A_218, %get3A_128 : vector<16xi32>
        scf.yield %add3A_231 : vector<16xi32>
      }
      %scan3A_41 = arith.constant 128 : i32
      %scan3A_42 = arith.constant 0 : i32
      %scan3A_43 = arith.constant 0 : i32
      %scan3A_44 = arith.constant 125 : i32
      %scan3A_45 = arith.addi %scan3A_43, %scan3A_44 : i32
      %scan3A_46 = arith.constant 1 : i32
      %scan3A_47 = scf.for %scan3A_78 = %scan3A_43 to %scan3A_45 step %scan3A_46 iter_args(%scan3A_79 = %scan3A_42) -> (i32)  : i32 {
        %mul3A_80 = arith.constant 8 : i32
        %mul3A_81 = arith.muli %scan3A_78, %mul3A_80 : i32
        %add3A_82 = arith.constant 0 : i32
        %add3A_83 = arith.addi %mul3A_81, %add3A_82 : i32
        %mul3A_84 = arith.constant 16 : i32
        %mul3A_85 = arith.muli %add3A_83, %mul3A_84 : i32
        %get3A = arith.index_cast %mul3A_85 : i32 to index
        %get3A_86 = tpu.vector_load %arg5[%get3A] {strides = array<i32>} : memref<16384xi32, #tpu.memory_space<vmem>>, vector<16xi32>,
        %add3A_87 = arith.constant 1 : i32
        %add3A_88 = arith.addi %mul3A_81, %add3A_87 : i32
        %mul3A_89 = arith.constant 16 : i32
        %mul3A_90 = arith.muli %add3A_88, %mul3A_89 : i32
        %get3A_91 = arith.index_cast %mul3A_90 : i32 to index
        %get3A_92 = tpu.vector_load %arg5[%get3A_91] {strides = array<i32>} : memref<16384xi32, #tpu.memory_space<vmem>>, vector<16xi32>,
        %add3A_93 = arith.constant 2 : i32
        %add3A_94 = arith.addi %mul3A_81, %add3A_93 : i32
        %mul3A_95 = arith.constant 16 : i32
        %mul3A_96 = arith.muli %add3A_94, %mul3A_95 : i32
        %get3A_97 = arith.index_cast %mul3A_96 : i32 to index
        %get3A_98 = tpu.vector_load %arg5[%get3A_97] {strides = array<i32>} : memref<16384xi32, #tpu.memory_space<vmem>>, vector<16xi32>,
        %add3A_99 = arith.constant 3 : i32
        %add3A_100 = arith.addi %mul3A_81, %add3A_99 : i32
        %mul3A_101 = arith.constant 16 : i32
        %mul3A_102 = arith.muli %add3A_100, %mul3A_101 : i32
        %get3A_103 = arith.index_cast %mul3A_102 : i32 to index
        %get3A_104 = tpu.vector_load %arg5[%get3A_103] {strides = array<i32>} : memref<16384xi32, #tpu.memory_space<vmem>>, vector<16xi32>,
        %add3A_105 = arith.constant 4 : i32
        %add3A_106 = arith.addi %mul3A_81, %add3A_105 : i32
        %mul3A_107 = arith.constant 16 : i32
        %mul3A_108 = arith.muli %add3A_106, %mul3A_107 : i32
        %get3A_109 = arith.index_cast %mul3A_108 : i32 to index
        %get3A_110 = tpu.vector_load %arg5[%get3A_109] {strides = array<i32>} : memref<16384xi32, #tpu.memory_space<vmem>>, vector<16xi32>,
        %add3A_111 = arith.constant 5 : i32
        %add3A_112 = arith.addi %mul3A_81, %add3A_111 : i32
        %mul3A_113 = arith.constant 16 : i32
        %mul3A_114 = arith.muli %add3A_112, %mul3A_113 : i32
        %get3A_115 = arith.index_cast %mul3A_114 : i32 to index
        %get3A_116 = tpu.vector_load %arg5[%get3A_115] {strides = array<i32>} : memref<16384xi32, #tpu.memory_space<vmem>>, vector<16xi32>,
        %add3A_117 = arith.constant 6 : i32
        %add3A_118 = arith.addi %mul3A_81, %add3A_117 : i32
        %mul3A_119 = arith.constant 16 : i32
        %mul3A_120 = arith.muli %add3A_118, %mul3A_119 : i32
        %get3A_121 = arith.index_cast %mul3A_120 : i32 to index
        %get3A_122 = tpu.vector_load %arg5[%get3A_121] {strides = array<i32>} : memref<16384xi32, #tpu.memory_space<vmem>>, vector<16xi32>,
        %add3A_123 = arith.constant 7 : i32
        %add3A_124 = arith.addi %mul3A_81, %add3A_123 : i32
        %mul3A_125 = arith.constant 16 : i32
        %mul3A_126 = arith.muli %add3A_124, %mul3A_125 : i32
        %get3A_127 = arith.index_cast %mul3A_126 : i32 to index
        %get3A_128 = tpu.vector_load %arg5[%get3A_127] {strides = array<i32>} : memref<16384xi32, #tpu.memory_space<vmem>>, vector<16xi32>,
        %add3A_129 = arith.constant 0 : i32
        %add3A_130 = arith.addi %mul3A_81, %add3A_129 : i32
        %add3A_131 = vector.broadcast %add3A_130 : i32 to vector<16xi32>
        %add3A_132 = arith.addi %broadcast_in_dim3A_6, %add3A_131 : vector<16xi32>
        %add3A_133 = arith.constant 1 : i32
        %add3A_134 = arith.addi %mul3A_81, %add3A_133 : i32
        %add3A_135 = vector.broadcast %add3A_134 : i32 to vector<16xi32>
        %add3A_136 = arith.addi %broadcast_in_dim3A_6, %add3A_135 : vector<16xi32>
        %add3A_137 = arith.constant 2 : i32
        %add3A_138 = arith.addi %mul3A_81, %add3A_137 : i32
        %add3A_139 = vector.broadcast %add3A_138 : i32 to vector<16xi32>
        %add3A_140 = arith.addi %broadcast_in_dim3A_6, %add3A_139 : vector<16xi32>
        %add3A_141 = arith.constant 3 : i32
        %add3A_142 = arith.addi %mul3A_81, %add3A_141 : i32
        %add3A_143 = vector.broadcast %add3A_142 : i32 to vector<16xi32>
        %add3A_144 = arith.addi %broadcast_in_dim3A_6, %add3A_143 : vector<16xi32>
        %add3A_145 = arith.constant 4 : i32
        %add3A_146 = arith.addi %mul3A_81, %add3A_145 : i32
        %add3A_147 = vector.broadcast %add3A_146 : i32 to vector<16xi32>
        %add3A_148 = arith.addi %broadcast_in_dim3A_6, %add3A_147 : vector<16xi32>
        %add3A_149 = arith.constant 5 : i32
        %add3A_150 = arith.addi %mul3A_81, %add3A_149 : i32
        %add3A_151 = vector.broadcast %add3A_150 : i32 to vector<16xi32>
        %add3A_152 = arith.addi %broadcast_in_dim3A_6, %add3A_151 : vector<16xi32>
        %add3A_153 = arith.constant 6 : i32
        %add3A_154 = arith.addi %mul3A_81, %add3A_153 : i32
        %add3A_155 = vector.broadcast %add3A_154 : i32 to vector<16xi32>
        %add3A_156 = arith.addi %broadcast_in_dim3A_6, %add3A_155 : vector<16xi32>
        %add3A_157 = arith.constant 7 : i32
        %add3A_158 = arith.addi %mul3A_81, %add3A_157 : i32
        %add3A_159 = vector.broadcast %add3A_158 : i32 to vector<16xi32>
        %add3A_160 = arith.addi %broadcast_in_dim3A_6, %add3A_159 : vector<16xi32>
        %shift_right_logical3A = arith.constant 0 : i32
        %shift_right_logical3A_161 = vector.broadcast %shift_right_logical3A : i32 to vector<16xi32>
        %shift_right_logical3A_162 = arith.shrui %get3A_86, %shift_right_logical3A_161 : vector<16xi32>
        %and3A = arith.constant 1023 : i32
        %and3A_163 = vector.broadcast %and3A : i32 to vector<16xi32>
        %and3A_164 = arith.andi %shift_right_logical3A_162, %and3A_163 : vector<16xi32>
        %mul3A_165 = arith.constant 16 : i32
        %mul3A_166 = vector.broadcast %mul3A_165 : i32 to vector<16xi32>
        %mul3A_167 = arith.muli %and3A_164, %mul3A_166 : vector<16xi32>
        %add3A_168 = arith.addi %mul3A_167, %iota3A : vector<16xi32>
        %shift_right_logical3A_169 = arith.constant 0 : i32
        %shift_right_logical3A_170 = vector.broadcast %shift_right_logical3A_169 : i32 to vector<16xi32>
        %shift_right_logical3A_171 = arith.shrui %get3A_92, %shift_right_logical3A_170 : vector<16xi32>
        %and3A_172 = arith.constant 1023 : i32
        %and3A_173 = vector.broadcast %and3A_172 : i32 to vector<16xi32>
        %and3A_174 = arith.andi %shift_right_logical3A_171, %and3A_173 : vector<16xi32>
        %mul3A_175 = arith.constant 16 : i32
        %mul3A_176 = vector.broadcast %mul3A_175 : i32 to vector<16xi32>
        %mul3A_177 = arith.muli %and3A_174, %mul3A_176 : vector<16xi32>
        %add3A_178 = arith.addi %mul3A_177, %iota3A : vector<16xi32>
        %shift_right_logical3A_179 = arith.constant 0 : i32
        %shift_right_logical3A_180 = vector.broadcast %shift_right_logical3A_179 : i32 to vector<16xi32>
        %shift_right_logical3A_181 = arith.shrui %get3A_98, %shift_right_logical3A_180 : vector<16xi32>
        %and3A_182 = arith.constant 1023 : i32
        %and3A_183 = vector.broadcast %and3A_182 : i32 to vector<16xi32>
        %and3A_184 = arith.andi %shift_right_logical3A_181, %and3A_183 : vector<16xi32>
        %mul3A_185 = arith.constant 16 : i32
        %mul3A_186 = vector.broadcast %mul3A_185 : i32 to vector<16xi32>
        %mul3A_187 = arith.muli %and3A_184, %mul3A_186 : vector<16xi32>
        %add3A_188 = arith.addi %mul3A_187, %iota3A : vector<16xi32>
        %shift_right_logical3A_189 = arith.constant 0 : i32
        %shift_right_logical3A_190 = vector.broadcast %shift_right_logical3A_189 : i32 to vector<16xi32>
        %shift_right_logical3A_191 = arith.shrui %get3A_104, %shift_right_logical3A_190 : vector<16xi32>
        %and3A_192 = arith.constant 1023 : i32
        %and3A_193 = vector.broadcast %and3A_192 : i32 to vector<16xi32>
        %and3A_194 = arith.andi %shift_right_logical3A_191, %and3A_193 : vector<16xi32>
        %mul3A_195 = arith.constant 16 : i32
        %mul3A_196 = vector.broadcast %mul3A_195 : i32 to vector<16xi32>
        %mul3A_197 = arith.muli %and3A_194, %mul3A_196 : vector<16xi32>
        %add3A_198 = arith.addi %mul3A_197, %iota3A : vector<16xi32>
        %shift_right_logical3A_199 = arith.constant 0 : i32
        %shift_right_logical3A_200 = vector.broadcast %shift_right_logical3A_199 : i32 to vector<16xi32>
        %shift_right_logical3A_201 = arith.shrui %get3A_110, %shift_right_logical3A_200 : vector<16xi32>
        %and3A_202 = arith.constant 1023 : i32
        %and3A_203 = vector.broadcast %and3A_202 : i32 to vector<16xi32>
        %and3A_204 = arith.andi %shift_right_logical3A_201, %and3A_203 : vector<16xi32>
        %mul3A_205 = arith.constant 16 : i32
        %mul3A_206 = vector.broadcast %mul3A_205 : i32 to vector<16xi32>
        %mul3A_207 = arith.muli %and3A_204, %mul3A_206 : vector<16xi32>
        %add3A_208 = arith.addi %mul3A_207, %iota3A : vector<16xi32>
        %shift_right_logical3A_209 = arith.constant 0 : i32
        %shift_right_logical3A_210 = vector.broadcast %shift_right_logical3A_209 : i32 to vector<16xi32>
        %shift_right_logical3A_211 = arith.shrui %get3A_116, %shift_right_logical3A_210 : vector<16xi32>
        %and3A_212 = arith.constant 1023 : i32
        %and3A_213 = vector.broadcast %and3A_212 : i32 to vector<16xi32>
        %and3A_214 = arith.andi %shift_right_logical3A_211, %and3A_213 : vector<16xi32>
        %mul3A_215 = arith.constant 16 : i32
        %mul3A_216 = vector.broadcast %mul3A_215 : i32 to vector<16xi32>
        %mul3A_217 = arith.muli %and3A_214, %mul3A_216 : vector<16xi32>
        %add3A_218 = arith.addi %mul3A_217, %iota3A : vector<16xi32>
        %shift_right_logical3A_219 = arith.constant 0 : i32
        %shift_right_logical3A_220 = vector.broadcast %shift_right_logical3A_219 : i32 to vector<16xi32>
        %shift_right_logical3A_221 = arith.shrui %get3A_122, %shift_right_logical3A_220 : vector<16xi32>
        %and3A_222 = arith.constant 1023 : i32
        %and3A_223 = vector.broadcast %and3A_222 : i32 to vector<16xi32>
        %and3A_224 = arith.andi %shift_right_logical3A_221, %and3A_223 : vector<16xi32>
        %mul3A_225 = arith.constant 16 : i32
        %mul3A_226 = vector.broadcast %mul3A_225 : i32 to vector<16xi32>
        %mul3A_227 = arith.muli %and3A_224, %mul3A_226 : vector<16xi32>
        %add3A_228 = arith.addi %mul3A_227, %iota3A : vector<16xi32>
        %shift_right_logical3A_229 = arith.constant 0 : i32
        %shift_right_logical3A_230 = vector.broadcast %shift_right_logical3A_229 : i32 to vector<16xi32>
        %shift_right_logical3A_231 = arith.shrui %get3A_128, %shift_right_logical3A_230 : vector<16xi32>
        %and3A_232 = arith.constant 1023 : i32
        %and3A_233 = vector.broadcast %and3A_232 : i32 to vector<16xi32>
        %and3A_234 = arith.andi %shift_right_logical3A_231, %and3A_233 : vector<16xi32>
        %mul3A_235 = arith.constant 16 : i32
        %mul3A_236 = vector.broadcast %mul3A_235 : i32 to vector<16xi32>
        %mul3A_237 = arith.muli %and3A_234, %mul3A_236 : vector<16xi32>
        %add3A_238 = arith.addi %mul3A_237, %iota3A : vector<16xi32>
        %gather3A = tpu.vector_load_idx %arg8[%add3A_168] : memref<16384xi32, #tpu.memory_space<vmem>>[vector<16xi32>], vector<16xi32>,
        tpu.vector_store_idx %arg8[%add3A_168], %broadcast_in_dim3A_4 {add = true} : memref<16384xi32, #tpu.memory_space<vmem>>[vector<16xi32>], vector<16xi32>,
        %gather3A_239 = tpu.vector_load_idx %arg8[%add3A_178] : memref<16384xi32, #tpu.memory_space<vmem>>[vector<16xi32>], vector<16xi32>,
        tpu.vector_store_idx %arg8[%add3A_178], %broadcast_in_dim3A_4 {add = true} : memref<16384xi32, #tpu.memory_space<vmem>>[vector<16xi32>], vector<16xi32>,
        %gather3A_240 = tpu.vector_load_idx %arg8[%add3A_188] : memref<16384xi32, #tpu.memory_space<vmem>>[vector<16xi32>], vector<16xi32>,
        tpu.vector_store_idx %arg8[%add3A_188], %broadcast_in_dim3A_4 {add = true} : memref<16384xi32, #tpu.memory_space<vmem>>[vector<16xi32>], vector<16xi32>,
        %gather3A_241 = tpu.vector_load_idx %arg8[%add3A_198] : memref<16384xi32, #tpu.memory_space<vmem>>[vector<16xi32>], vector<16xi32>,
        tpu.vector_store_idx %arg8[%add3A_198], %broadcast_in_dim3A_4 {add = true} : memref<16384xi32, #tpu.memory_space<vmem>>[vector<16xi32>], vector<16xi32>,
        %gather3A_242 = tpu.vector_load_idx %arg8[%add3A_208] : memref<16384xi32, #tpu.memory_space<vmem>>[vector<16xi32>], vector<16xi32>,
        tpu.vector_store_idx %arg8[%add3A_208], %broadcast_in_dim3A_4 {add = true} : memref<16384xi32, #tpu.memory_space<vmem>>[vector<16xi32>], vector<16xi32>,
        %gather3A_243 = tpu.vector_load_idx %arg8[%add3A_218] : memref<16384xi32, #tpu.memory_space<vmem>>[vector<16xi32>], vector<16xi32>,
        tpu.vector_store_idx %arg8[%add3A_218], %broadcast_in_dim3A_4 {add = true} : memref<16384xi32, #tpu.memory_space<vmem>>[vector<16xi32>], vector<16xi32>,
        %gather3A_244 = tpu.vector_load_idx %arg8[%add3A_228] : memref<16384xi32, #tpu.memory_space<vmem>>[vector<16xi32>], vector<16xi32>,
        tpu.vector_store_idx %arg8[%add3A_228], %broadcast_in_dim3A_4 {add = true} : memref<16384xi32, #tpu.memory_space<vmem>>[vector<16xi32>], vector<16xi32>,
        %gather3A_245 = tpu.vector_load_idx %arg8[%add3A_238] : memref<16384xi32, #tpu.memory_space<vmem>>[vector<16xi32>], vector<16xi32>,
        tpu.vector_store_idx %arg8[%add3A_238], %broadcast_in_dim3A_4 {add = true} : memref<16384xi32, #tpu.memory_space<vmem>>[vector<16xi32>], vector<16xi32>,
        %mul3A_246 = arith.constant 16 : i32
        %mul3A_247 = vector.broadcast %mul3A_246 : i32 to vector<16xi32>
        %mul3A_248 = arith.muli %gather3A, %mul3A_247 : vector<16xi32>
        %add3A_249 = arith.addi %mul3A_248, %iota3A : vector<16xi32>
        %mul3A_250 = arith.constant 16 : i32
        %mul3A_251 = vector.broadcast %mul3A_250 : i32 to vector<16xi32>
        %mul3A_252 = arith.muli %gather3A_239, %mul3A_251 : vector<16xi32>
        %add3A_253 = arith.addi %mul3A_252, %iota3A : vector<16xi32>
        %mul3A_254 = arith.constant 16 : i32
        %mul3A_255 = vector.broadcast %mul3A_254 : i32 to vector<16xi32>
        %mul3A_256 = arith.muli %gather3A_240, %mul3A_255 : vector<16xi32>
        %add3A_257 = arith.addi %mul3A_256, %iota3A : vector<16xi32>
        %mul3A_258 = arith.constant 16 : i32
        %mul3A_259 = vector.broadcast %mul3A_258 : i32 to vector<16xi32>
        %mul3A_260 = arith.muli %gather3A_241, %mul3A_259 : vector<16xi32>
        %add3A_261 = arith.addi %mul3A_260, %iota3A : vector<16xi32>
        %mul3A_262 = arith.constant 16 : i32
        %mul3A_263 = vector.broadcast %mul3A_262 : i32 to vector<16xi32>
        %mul3A_264 = arith.muli %gather3A_242, %mul3A_263 : vector<16xi32>
        %add3A_265 = arith.addi %mul3A_264, %iota3A : vector<16xi32>
        %mul3A_266 = arith.constant 16 : i32
        %mul3A_267 = vector.broadcast %mul3A_266 : i32 to vector<16xi32>
        %mul3A_268 = arith.muli %gather3A_243, %mul3A_267 : vector<16xi32>
        %add3A_269 = arith.addi %mul3A_268, %iota3A : vector<16xi32>
        %mul3A_270 = arith.constant 16 : i32
        %mul3A_271 = vector.broadcast %mul3A_270 : i32 to vector<16xi32>
        %mul3A_272 = arith.muli %gather3A_244, %mul3A_271 : vector<16xi32>
        %add3A_273 = arith.addi %mul3A_272, %iota3A : vector<16xi32>
        %mul3A_274 = arith.constant 16 : i32
        %mul3A_275 = vector.broadcast %mul3A_274 : i32 to vector<16xi32>
        %mul3A_276 = arith.muli %gather3A_245, %mul3A_275 : vector<16xi32>
        %add3A_277 = arith.addi %mul3A_276, %iota3A : vector<16xi32>
        %shift_right_logical3A_278 = arith.constant 10 : i32
        %shift_right_logical3A_279 = vector.broadcast %shift_right_logical3A_278 : i32 to vector<16xi32>
        %shift_right_logical3A_280 = arith.shrui %get3A_86, %shift_right_logical3A_279 : vector<16xi32>
        %and3A_281 = arith.constant 1023 : i32
        %and3A_282 = vector.broadcast %and3A_281 : i32 to vector<16xi32>
        %and3A_283 = arith.andi %shift_right_logical3A_280, %and3A_282 : vector<16xi32>
        %mul3A_284 = arith.constant 16 : i32
        %mul3A_285 = vector.broadcast %mul3A_284 : i32 to vector<16xi32>
        %mul3A_286 = arith.muli %and3A_283, %mul3A_285 : vector<16xi32>
        %add3A_287 = arith.addi %mul3A_286, %iota3A : vector<16xi32>
        %shift_right_logical3A_288 = arith.constant 10 : i32
        %shift_right_logical3A_289 = vector.broadcast %shift_right_logical3A_288 : i32 to vector<16xi32>
        %shift_right_logical3A_290 = arith.shrui %get3A_92, %shift_right_logical3A_289 : vector<16xi32>
        %and3A_291 = arith.constant 1023 : i32
        %and3A_292 = vector.broadcast %and3A_291 : i32 to vector<16xi32>
        %and3A_293 = arith.andi %shift_right_logical3A_290, %and3A_292 : vector<16xi32>
        %mul3A_294 = arith.constant 16 : i32
        %mul3A_295 = vector.broadcast %mul3A_294 : i32 to vector<16xi32>
        %mul3A_296 = arith.muli %and3A_293, %mul3A_295 : vector<16xi32>
        %add3A_297 = arith.addi %mul3A_296, %iota3A : vector<16xi32>
        %shift_right_logical3A_298 = arith.constant 10 : i32
        %shift_right_logical3A_299 = vector.broadcast %shift_right_logical3A_298 : i32 to vector<16xi32>
        %shift_right_logical3A_300 = arith.shrui %get3A_98, %shift_right_logical3A_299 : vector<16xi32>
        %and3A_301 = arith.constant 1023 : i32
        %and3A_302 = vector.broadcast %and3A_301 : i32 to vector<16xi32>
        %and3A_303 = arith.andi %shift_right_logical3A_300, %and3A_302 : vector<16xi32>
        %mul3A_304 = arith.constant 16 : i32
        %mul3A_305 = vector.broadcast %mul3A_304 : i32 to vector<16xi32>
        %mul3A_306 = arith.muli %and3A_303, %mul3A_305 : vector<16xi32>
        %add3A_307 = arith.addi %mul3A_306, %iota3A : vector<16xi32>
        %shift_right_logical3A_308 = arith.constant 10 : i32
        %shift_right_logical3A_309 = vector.broadcast %shift_right_logical3A_308 : i32 to vector<16xi32>
        %shift_right_logical3A_310 = arith.shrui %get3A_104, %shift_right_logical3A_309 : vector<16xi32>
        %and3A_311 = arith.constant 1023 : i32
        %and3A_312 = vector.broadcast %and3A_311 : i32 to vector<16xi32>
        %and3A_313 = arith.andi %shift_right_logical3A_310, %and3A_312 : vector<16xi32>
        %mul3A_314 = arith.constant 16 : i32
        %mul3A_315 = vector.broadcast %mul3A_314 : i32 to vector<16xi32>
        %mul3A_316 = arith.muli %and3A_313, %mul3A_315 : vector<16xi32>
        %add3A_317 = arith.addi %mul3A_316, %iota3A : vector<16xi32>
        %shift_right_logical3A_318 = arith.constant 10 : i32
        %shift_right_logical3A_319 = vector.broadcast %shift_right_logical3A_318 : i32 to vector<16xi32>
        %shift_right_logical3A_320 = arith.shrui %get3A_110, %shift_right_logical3A_319 : vector<16xi32>
        %and3A_321 = arith.constant 1023 : i32
        %and3A_322 = vector.broadcast %and3A_321 : i32 to vector<16xi32>
        %and3A_323 = arith.andi %shift_right_logical3A_320, %and3A_322 : vector<16xi32>
        %mul3A_324 = arith.constant 16 : i32
        %mul3A_325 = vector.broadcast %mul3A_324 : i32 to vector<16xi32>
        %mul3A_326 = arith.muli %and3A_323, %mul3A_325 : vector<16xi32>
        %add3A_327 = arith.addi %mul3A_326, %iota3A : vector<16xi32>
        %shift_right_logical3A_328 = arith.constant 10 : i32
        %shift_right_logical3A_329 = vector.broadcast %shift_right_logical3A_328 : i32 to vector<16xi32>
        %shift_right_logical3A_330 = arith.shrui %get3A_116, %shift_right_logical3A_329 : vector<16xi32>
        %and3A_331 = arith.constant 1023 : i32
        %and3A_332 = vector.broadcast %and3A_331 : i32 to vector<16xi32>
        %and3A_333 = arith.andi %shift_right_logical3A_330, %and3A_332 : vector<16xi32>
        %mul3A_334 = arith.constant 16 : i32
        %mul3A_335 = vector.broadcast %mul3A_334 : i32 to vector<16xi32>
        %mul3A_336 = arith.muli %and3A_333, %mul3A_335 : vector<16xi32>
        %add3A_337 = arith.addi %mul3A_336, %iota3A : vector<16xi32>
        %shift_right_logical3A_338 = arith.constant 10 : i32
        %shift_right_logical3A_339 = vector.broadcast %shift_right_logical3A_338 : i32 to vector<16xi32>
        %shift_right_logical3A_340 = arith.shrui %get3A_122, %shift_right_logical3A_339 : vector<16xi32>
        %and3A_341 = arith.constant 1023 : i32
        %and3A_342 = vector.broadcast %and3A_341 : i32 to vector<16xi32>
        %and3A_343 = arith.andi %shift_right_logical3A_340, %and3A_342 : vector<16xi32>
        %mul3A_344 = arith.constant 16 : i32
        %mul3A_345 = vector.broadcast %mul3A_344 : i32 to vector<16xi32>
        %mul3A_346 = arith.muli %and3A_343, %mul3A_345 : vector<16xi32>
        %add3A_347 = arith.addi %mul3A_346, %iota3A : vector<16xi32>
        %shift_right_logical3A_348 = arith.constant 10 : i32
        %shift_right_logical3A_349 = vector.broadcast %shift_right_logical3A_348 : i32 to vector<16xi32>
        %shift_right_logical3A_350 = arith.shrui %get3A_128, %shift_right_logical3A_349 : vector<16xi32>
        %and3A_351 = arith.constant 1023 : i32
        %and3A_352 = vector.broadcast %and3A_351 : i32 to vector<16xi32>
        %and3A_353 = arith.andi %shift_right_logical3A_350, %and3A_352 : vector<16xi32>
        %mul3A_354 = arith.constant 16 : i32
        %mul3A_355 = vector.broadcast %mul3A_354 : i32 to vector<16xi32>
        %mul3A_356 = arith.muli %and3A_353, %mul3A_355 : vector<16xi32>
        %add3A_357 = arith.addi %mul3A_356, %iota3A : vector<16xi32>
        tpu.vector_store_idx %arg6[%add3A_249], %get3A_86 : memref<16384xi32, #tpu.memory_space<vmem>>[vector<16xi32>], vector<16xi32>,
        tpu.vector_store_idx %arg7[%add3A_249], %add3A_132 : memref<16384xi32, #tpu.memory_space<vmem>>[vector<16xi32>], vector<16xi32>,
        tpu.vector_store_idx %arg9[%add3A_287], %broadcast_in_dim3A_4 {add = true} : memref<16384xi32, #tpu.memory_space<vmem>>[vector<16xi32>], vector<16xi32>,
        tpu.vector_store_idx %arg6[%add3A_253], %get3A_92 : memref<16384xi32, #tpu.memory_space<vmem>>[vector<16xi32>], vector<16xi32>,
        tpu.vector_store_idx %arg7[%add3A_253], %add3A_136 : memref<16384xi32, #tpu.memory_space<vmem>>[vector<16xi32>], vector<16xi32>,
        tpu.vector_store_idx %arg9[%add3A_297], %broadcast_in_dim3A_4 {add = true} : memref<16384xi32, #tpu.memory_space<vmem>>[vector<16xi32>], vector<16xi32>,
        tpu.vector_store_idx %arg6[%add3A_257], %get3A_98 : memref<16384xi32, #tpu.memory_space<vmem>>[vector<16xi32>], vector<16xi32>,
        tpu.vector_store_idx %arg7[%add3A_257], %add3A_140 : memref<16384xi32, #tpu.memory_space<vmem>>[vector<16xi32>], vector<16xi32>,
        tpu.vector_store_idx %arg9[%add3A_307], %broadcast_in_dim3A_4 {add = true} : memref<16384xi32, #tpu.memory_space<vmem>>[vector<16xi32>], vector<16xi32>,
        tpu.vector_store_idx %arg6[%add3A_261], %get3A_104 : memref<16384xi32, #tpu.memory_space<vmem>>[vector<16xi32>], vector<16xi32>,
        tpu.vector_store_idx %arg7[%add3A_261], %add3A_144 : memref<16384xi32, #tpu.memory_space<vmem>>[vector<16xi32>], vector<16xi32>,
        tpu.vector_store_idx %arg9[%add3A_317], %broadcast_in_dim3A_4 {add = true} : memref<16384xi32, #tpu.memory_space<vmem>>[vector<16xi32>], vector<16xi32>,
        tpu.vector_store_idx %arg6[%add3A_265], %get3A_110 : memref<16384xi32, #tpu.memory_space<vmem>>[vector<16xi32>], vector<16xi32>,
        tpu.vector_store_idx %arg7[%add3A_265], %add3A_148 : memref<16384xi32, #tpu.memory_space<vmem>>[vector<16xi32>], vector<16xi32>,
        tpu.vector_store_idx %arg9[%add3A_327], %broadcast_in_dim3A_4 {add = true} : memref<16384xi32, #tpu.memory_space<vmem>>[vector<16xi32>], vector<16xi32>,
        tpu.vector_store_idx %arg6[%add3A_269], %get3A_116 : memref<16384xi32, #tpu.memory_space<vmem>>[vector<16xi32>], vector<16xi32>,
        tpu.vector_store_idx %arg7[%add3A_269], %add3A_152 : memref<16384xi32, #tpu.memory_space<vmem>>[vector<16xi32>], vector<16xi32>,
        tpu.vector_store_idx %arg9[%add3A_337], %broadcast_in_dim3A_4 {add = true} : memref<16384xi32, #tpu.memory_space<vmem>>[vector<16xi32>], vector<16xi32>,
        tpu.vector_store_idx %arg6[%add3A_273], %get3A_122 : memref<16384xi32, #tpu.memory_space<vmem>>[vector<16xi32>], vector<16xi32>,
        tpu.vector_store_idx %arg7[%add3A_273], %add3A_156 : memref<16384xi32, #tpu.memory_space<vmem>>[vector<16xi32>], vector<16xi32>,
        tpu.vector_store_idx %arg9[%add3A_347], %broadcast_in_dim3A_4 {add = true} : memref<16384xi32, #tpu.memory_space<vmem>>[vector<16xi32>], vector<16xi32>,
        tpu.vector_store_idx %arg6[%add3A_277], %get3A_128 : memref<16384xi32, #tpu.memory_space<vmem>>[vector<16xi32>], vector<16xi32>,
        tpu.vector_store_idx %arg7[%add3A_277], %add3A_160 : memref<16384xi32, #tpu.memory_space<vmem>>[vector<16xi32>], vector<16xi32>,
        tpu.vector_store_idx %arg9[%add3A_357], %broadcast_in_dim3A_4 {add = true} : memref<16384xi32, #tpu.memory_space<vmem>>[vector<16xi32>], vector<16xi32>,
        %scan3A_358 = arith.constant 0 : i32
        scf.yield %scan3A_358 : i32
      }
      %scan3A_48 = arith.constant 125 : i32
      %scan3A_49 = arith.constant 0 : i32
      %scan3A_50 = arith.constant 128 : i32
      %scan3A_51 = arith.addi %scan3A_49, %scan3A_50 : i32
      %scan3A_52 = arith.constant 1 : i32
      %scan3A_53 = scf.for %scan3A_78 = %scan3A_49 to %scan3A_51 step %scan3A_52 iter_args(%scan3A_79 = %broadcast_in_dim3A_6) -> (vector<16xi32>)  : i32 {
        %mul3A_80 = arith.constant 8 : i32
        %mul3A_81 = arith.muli %scan3A_78, %mul3A_80 : i32
        %add3A_82 = arith.constant 0 : i32
        %add3A_83 = arith.addi %mul3A_81, %add3A_82 : i32
        %mul3A_84 = arith.constant 16 : i32
        %mul3A_85 = arith.muli %add3A_83, %mul3A_84 : i32
        %get3A = arith.index_cast %mul3A_85 : i32 to index
        %get3A_86 = tpu.vector_load %arg9[%get3A] {strides = array<i32>} : memref<16384xi32, #tpu.memory_space<vmem>>, vector<16xi32>,
        %add3A_87 = arith.constant 1 : i32
        %add3A_88 = arith.addi %mul3A_81, %add3A_87 : i32
        %mul3A_89 = arith.constant 16 : i32
        %mul3A_90 = arith.muli %add3A_88, %mul3A_89 : i32
        %get3A_91 = arith.index_cast %mul3A_90 : i32 to index
        %get3A_92 = tpu.vector_load %arg9[%get3A_91] {strides = array<i32>} : memref<16384xi32, #tpu.memory_space<vmem>>, vector<16xi32>,
        %add3A_93 = arith.constant 2 : i32
        %add3A_94 = arith.addi %mul3A_81, %add3A_93 : i32
        %mul3A_95 = arith.constant 16 : i32
        %mul3A_96 = arith.muli %add3A_94, %mul3A_95 : i32
        %get3A_97 = arith.index_cast %mul3A_96 : i32 to index
        %get3A_98 = tpu.vector_load %arg9[%get3A_97] {strides = array<i32>} : memref<16384xi32, #tpu.memory_space<vmem>>, vector<16xi32>,
        %add3A_99 = arith.constant 3 : i32
        %add3A_100 = arith.addi %mul3A_81, %add3A_99 : i32
        %mul3A_101 = arith.constant 16 : i32
        %mul3A_102 = arith.muli %add3A_100, %mul3A_101 : i32
        %get3A_103 = arith.index_cast %mul3A_102 : i32 to index
        %get3A_104 = tpu.vector_load %arg9[%get3A_103] {strides = array<i32>} : memref<16384xi32, #tpu.memory_space<vmem>>, vector<16xi32>,
        %add3A_105 = arith.constant 4 : i32
        %add3A_106 = arith.addi %mul3A_81, %add3A_105 : i32
        %mul3A_107 = arith.constant 16 : i32
        %mul3A_108 = arith.muli %add3A_106, %mul3A_107 : i32
        %get3A_109 = arith.index_cast %mul3A_108 : i32 to index
        %get3A_110 = tpu.vector_load %arg9[%get3A_109] {strides = array<i32>} : memref<16384xi32, #tpu.memory_space<vmem>>, vector<16xi32>,
        %add3A_111 = arith.constant 5 : i32
        %add3A_112 = arith.addi %mul3A_81, %add3A_111 : i32
        %mul3A_113 = arith.constant 16 : i32
        %mul3A_114 = arith.muli %add3A_112, %mul3A_113 : i32
        %get3A_115 = arith.index_cast %mul3A_114 : i32 to index
        %get3A_116 = tpu.vector_load %arg9[%get3A_115] {strides = array<i32>} : memref<16384xi32, #tpu.memory_space<vmem>>, vector<16xi32>,
        %add3A_117 = arith.constant 6 : i32
        %add3A_118 = arith.addi %mul3A_81, %add3A_117 : i32
        %mul3A_119 = arith.constant 16 : i32
        %mul3A_120 = arith.muli %add3A_118, %mul3A_119 : i32
        %get3A_121 = arith.index_cast %mul3A_120 : i32 to index
        %get3A_122 = tpu.vector_load %arg9[%get3A_121] {strides = array<i32>} : memref<16384xi32, #tpu.memory_space<vmem>>, vector<16xi32>,
        %add3A_123 = arith.constant 7 : i32
        %add3A_124 = arith.addi %mul3A_81, %add3A_123 : i32
        %mul3A_125 = arith.constant 16 : i32
        %mul3A_126 = arith.muli %add3A_124, %mul3A_125 : i32
        %get3A_127 = arith.index_cast %mul3A_126 : i32 to index
        %get3A_128 = tpu.vector_load %arg9[%get3A_127] {strides = array<i32>} : memref<16384xi32, #tpu.memory_space<vmem>>, vector<16xi32>,
        %add3A_129 = arith.constant 0 : i32
        %add3A_130 = arith.addi %mul3A_81, %add3A_129 : i32
        %mul3A_131 = arith.constant 16 : i32
        %mul3A_132 = arith.muli %add3A_130, %mul3A_131 : i32
        %swap3A = arith.index_cast %mul3A_132 : i32 to index
        %swap3A_133 = tpu.vector_load %arg9[%swap3A] {strides = array<i32>} : memref<16384xi32, #tpu.memory_space<vmem>>, vector<16xi32>,
        tpu.vector_store %arg9[%swap3A], %scan3A_79 {strides = array<i32>} : memref<16384xi32, #tpu.memory_space<vmem>>, vector<16xi32>,
        %add3A_134 = arith.constant 0 : i32
        %add3A_135 = arith.addi %mul3A_81, %add3A_134 : i32
        %mul3A_136 = arith.constant 16 : i32
        %mul3A_137 = arith.muli %add3A_135, %mul3A_136 : i32
        %swap3A_138 = arith.index_cast %mul3A_137 : i32 to index
        %swap3A_139 = tpu.vector_load %arg8[%swap3A_138] {strides = array<i32>} : memref<16384xi32, #tpu.memory_space<vmem>>, vector<16xi32>,
        tpu.vector_store %arg8[%swap3A_138], %broadcast_in_dim3A_6 {strides = array<i32>} : memref<16384xi32, #tpu.memory_space<vmem>>, vector<16xi32>,
        %add3A_140 = arith.addi %scan3A_79, %get3A_86 : vector<16xi32>
        %add3A_141 = arith.constant 1 : i32
        %add3A_142 = arith.addi %mul3A_81, %add3A_141 : i32
        %mul3A_143 = arith.constant 16 : i32
        %mul3A_144 = arith.muli %add3A_142, %mul3A_143 : i32
        %swap3A_145 = arith.index_cast %mul3A_144 : i32 to index
        %swap3A_146 = tpu.vector_load %arg9[%swap3A_145] {strides = array<i32>} : memref<16384xi32, #tpu.memory_space<vmem>>, vector<16xi32>,
        tpu.vector_store %arg9[%swap3A_145], %add3A_140 {strides = array<i32>} : memref<16384xi32, #tpu.memory_space<vmem>>, vector<16xi32>,
        %add3A_147 = arith.constant 1 : i32
        %add3A_148 = arith.addi %mul3A_81, %add3A_147 : i32
        %mul3A_149 = arith.constant 16 : i32
        %mul3A_150 = arith.muli %add3A_148, %mul3A_149 : i32
        %swap3A_151 = arith.index_cast %mul3A_150 : i32 to index
        %swap3A_152 = tpu.vector_load %arg8[%swap3A_151] {strides = array<i32>} : memref<16384xi32, #tpu.memory_space<vmem>>, vector<16xi32>,
        tpu.vector_store %arg8[%swap3A_151], %broadcast_in_dim3A_6 {strides = array<i32>} : memref<16384xi32, #tpu.memory_space<vmem>>, vector<16xi32>,
        %add3A_153 = arith.addi %add3A_140, %get3A_92 : vector<16xi32>
        %add3A_154 = arith.constant 2 : i32
        %add3A_155 = arith.addi %mul3A_81, %add3A_154 : i32
        %mul3A_156 = arith.constant 16 : i32
        %mul3A_157 = arith.muli %add3A_155, %mul3A_156 : i32
        %swap3A_158 = arith.index_cast %mul3A_157 : i32 to index
        %swap3A_159 = tpu.vector_load %arg9[%swap3A_158] {strides = array<i32>} : memref<16384xi32, #tpu.memory_space<vmem>>, vector<16xi32>,
        tpu.vector_store %arg9[%swap3A_158], %add3A_153 {strides = array<i32>} : memref<16384xi32, #tpu.memory_space<vmem>>, vector<16xi32>,
        %add3A_160 = arith.constant 2 : i32
        %add3A_161 = arith.addi %mul3A_81, %add3A_160 : i32
        %mul3A_162 = arith.constant 16 : i32
        %mul3A_163 = arith.muli %add3A_161, %mul3A_162 : i32
        %swap3A_164 = arith.index_cast %mul3A_163 : i32 to index
        %swap3A_165 = tpu.vector_load %arg8[%swap3A_164] {strides = array<i32>} : memref<16384xi32, #tpu.memory_space<vmem>>, vector<16xi32>,
        tpu.vector_store %arg8[%swap3A_164], %broadcast_in_dim3A_6 {strides = array<i32>} : memref<16384xi32, #tpu.memory_space<vmem>>, vector<16xi32>,
        %add3A_166 = arith.addi %add3A_153, %get3A_98 : vector<16xi32>
        %add3A_167 = arith.constant 3 : i32
        %add3A_168 = arith.addi %mul3A_81, %add3A_167 : i32
        %mul3A_169 = arith.constant 16 : i32
        %mul3A_170 = arith.muli %add3A_168, %mul3A_169 : i32
        %swap3A_171 = arith.index_cast %mul3A_170 : i32 to index
        %swap3A_172 = tpu.vector_load %arg9[%swap3A_171] {strides = array<i32>} : memref<16384xi32, #tpu.memory_space<vmem>>, vector<16xi32>,
        tpu.vector_store %arg9[%swap3A_171], %add3A_166 {strides = array<i32>} : memref<16384xi32, #tpu.memory_space<vmem>>, vector<16xi32>,
        %add3A_173 = arith.constant 3 : i32
        %add3A_174 = arith.addi %mul3A_81, %add3A_173 : i32
        %mul3A_175 = arith.constant 16 : i32
        %mul3A_176 = arith.muli %add3A_174, %mul3A_175 : i32
        %swap3A_177 = arith.index_cast %mul3A_176 : i32 to index
        %swap3A_178 = tpu.vector_load %arg8[%swap3A_177] {strides = array<i32>} : memref<16384xi32, #tpu.memory_space<vmem>>, vector<16xi32>,
        tpu.vector_store %arg8[%swap3A_177], %broadcast_in_dim3A_6 {strides = array<i32>} : memref<16384xi32, #tpu.memory_space<vmem>>, vector<16xi32>,
        %add3A_179 = arith.addi %add3A_166, %get3A_104 : vector<16xi32>
        %add3A_180 = arith.constant 4 : i32
        %add3A_181 = arith.addi %mul3A_81, %add3A_180 : i32
        %mul3A_182 = arith.constant 16 : i32
        %mul3A_183 = arith.muli %add3A_181, %mul3A_182 : i32
        %swap3A_184 = arith.index_cast %mul3A_183 : i32 to index
        %swap3A_185 = tpu.vector_load %arg9[%swap3A_184] {strides = array<i32>} : memref<16384xi32, #tpu.memory_space<vmem>>, vector<16xi32>,
        tpu.vector_store %arg9[%swap3A_184], %add3A_179 {strides = array<i32>} : memref<16384xi32, #tpu.memory_space<vmem>>, vector<16xi32>,
        %add3A_186 = arith.constant 4 : i32
        %add3A_187 = arith.addi %mul3A_81, %add3A_186 : i32
        %mul3A_188 = arith.constant 16 : i32
        %mul3A_189 = arith.muli %add3A_187, %mul3A_188 : i32
        %swap3A_190 = arith.index_cast %mul3A_189 : i32 to index
        %swap3A_191 = tpu.vector_load %arg8[%swap3A_190] {strides = array<i32>} : memref<16384xi32, #tpu.memory_space<vmem>>, vector<16xi32>,
        tpu.vector_store %arg8[%swap3A_190], %broadcast_in_dim3A_6 {strides = array<i32>} : memref<16384xi32, #tpu.memory_space<vmem>>, vector<16xi32>,
        %add3A_192 = arith.addi %add3A_179, %get3A_110 : vector<16xi32>
        %add3A_193 = arith.constant 5 : i32
        %add3A_194 = arith.addi %mul3A_81, %add3A_193 : i32
        %mul3A_195 = arith.constant 16 : i32
        %mul3A_196 = arith.muli %add3A_194, %mul3A_195 : i32
        %swap3A_197 = arith.index_cast %mul3A_196 : i32 to index
        %swap3A_198 = tpu.vector_load %arg9[%swap3A_197] {strides = array<i32>} : memref<16384xi32, #tpu.memory_space<vmem>>, vector<16xi32>,
        tpu.vector_store %arg9[%swap3A_197], %add3A_192 {strides = array<i32>} : memref<16384xi32, #tpu.memory_space<vmem>>, vector<16xi32>,
        %add3A_199 = arith.constant 5 : i32
        %add3A_200 = arith.addi %mul3A_81, %add3A_199 : i32
        %mul3A_201 = arith.constant 16 : i32
        %mul3A_202 = arith.muli %add3A_200, %mul3A_201 : i32
        %swap3A_203 = arith.index_cast %mul3A_202 : i32 to index
        %swap3A_204 = tpu.vector_load %arg8[%swap3A_203] {strides = array<i32>} : memref<16384xi32, #tpu.memory_space<vmem>>, vector<16xi32>,
        tpu.vector_store %arg8[%swap3A_203], %broadcast_in_dim3A_6 {strides = array<i32>} : memref<16384xi32, #tpu.memory_space<vmem>>, vector<16xi32>,
        %add3A_205 = arith.addi %add3A_192, %get3A_116 : vector<16xi32>
        %add3A_206 = arith.constant 6 : i32
        %add3A_207 = arith.addi %mul3A_81, %add3A_206 : i32
        %mul3A_208 = arith.constant 16 : i32
        %mul3A_209 = arith.muli %add3A_207, %mul3A_208 : i32
        %swap3A_210 = arith.index_cast %mul3A_209 : i32 to index
        %swap3A_211 = tpu.vector_load %arg9[%swap3A_210] {strides = array<i32>} : memref<16384xi32, #tpu.memory_space<vmem>>, vector<16xi32>,
        tpu.vector_store %arg9[%swap3A_210], %add3A_205 {strides = array<i32>} : memref<16384xi32, #tpu.memory_space<vmem>>, vector<16xi32>,
        %add3A_212 = arith.constant 6 : i32
        %add3A_213 = arith.addi %mul3A_81, %add3A_212 : i32
        %mul3A_214 = arith.constant 16 : i32
        %mul3A_215 = arith.muli %add3A_213, %mul3A_214 : i32
        %swap3A_216 = arith.index_cast %mul3A_215 : i32 to index
        %swap3A_217 = tpu.vector_load %arg8[%swap3A_216] {strides = array<i32>} : memref<16384xi32, #tpu.memory_space<vmem>>, vector<16xi32>,
        tpu.vector_store %arg8[%swap3A_216], %broadcast_in_dim3A_6 {strides = array<i32>} : memref<16384xi32, #tpu.memory_space<vmem>>, vector<16xi32>,
        %add3A_218 = arith.addi %add3A_205, %get3A_122 : vector<16xi32>
        %add3A_219 = arith.constant 7 : i32
        %add3A_220 = arith.addi %mul3A_81, %add3A_219 : i32
        %mul3A_221 = arith.constant 16 : i32
        %mul3A_222 = arith.muli %add3A_220, %mul3A_221 : i32
        %swap3A_223 = arith.index_cast %mul3A_222 : i32 to index
        %swap3A_224 = tpu.vector_load %arg9[%swap3A_223] {strides = array<i32>} : memref<16384xi32, #tpu.memory_space<vmem>>, vector<16xi32>,
        tpu.vector_store %arg9[%swap3A_223], %add3A_218 {strides = array<i32>} : memref<16384xi32, #tpu.memory_space<vmem>>, vector<16xi32>,
        %add3A_225 = arith.constant 7 : i32
        %add3A_226 = arith.addi %mul3A_81, %add3A_225 : i32
        %mul3A_227 = arith.constant 16 : i32
        %mul3A_228 = arith.muli %add3A_226, %mul3A_227 : i32
        %swap3A_229 = arith.index_cast %mul3A_228 : i32 to index
        %swap3A_230 = tpu.vector_load %arg8[%swap3A_229] {strides = array<i32>} : memref<16384xi32, #tpu.memory_space<vmem>>, vector<16xi32>,
        tpu.vector_store %arg8[%swap3A_229], %broadcast_in_dim3A_6 {strides = array<i32>} : memref<16384xi32, #tpu.memory_space<vmem>>, vector<16xi32>,
        %add3A_231 = arith.addi %add3A_218, %get3A_128 : vector<16xi32>
        scf.yield %add3A_231 : vector<16xi32>
      }
      %scan3A_54 = arith.constant 128 : i32
      %scan3A_55 = arith.constant 0 : i32
      %scan3A_56 = arith.constant 0 : i32
      %scan3A_57 = arith.constant 125 : i32
      %scan3A_58 = arith.addi %scan3A_56, %scan3A_57 : i32
      %scan3A_59 = arith.constant 1 : i32
      %scan3A_60 = scf.for %scan3A_78 = %scan3A_56 to %scan3A_58 step %scan3A_59 iter_args(%scan3A_79 = %scan3A_55) -> (i32)  : i32 {
        %mul3A_80 = arith.constant 8 : i32
        %mul3A_81 = arith.muli %scan3A_78, %mul3A_80 : i32
        %add3A_82 = arith.constant 0 : i32
        %add3A_83 = arith.addi %mul3A_81, %add3A_82 : i32
        %mul3A_84 = arith.constant 16 : i32
        %mul3A_85 = arith.muli %add3A_83, %mul3A_84 : i32
        %get3A = arith.index_cast %mul3A_85 : i32 to index
        %get3A_86 = tpu.vector_load %arg6[%get3A] {strides = array<i32>} : memref<16384xi32, #tpu.memory_space<vmem>>, vector<16xi32>,
        %add3A_87 = arith.constant 1 : i32
        %add3A_88 = arith.addi %mul3A_81, %add3A_87 : i32
        %mul3A_89 = arith.constant 16 : i32
        %mul3A_90 = arith.muli %add3A_88, %mul3A_89 : i32
        %get3A_91 = arith.index_cast %mul3A_90 : i32 to index
        %get3A_92 = tpu.vector_load %arg6[%get3A_91] {strides = array<i32>} : memref<16384xi32, #tpu.memory_space<vmem>>, vector<16xi32>,
        %add3A_93 = arith.constant 2 : i32
        %add3A_94 = arith.addi %mul3A_81, %add3A_93 : i32
        %mul3A_95 = arith.constant 16 : i32
        %mul3A_96 = arith.muli %add3A_94, %mul3A_95 : i32
        %get3A_97 = arith.index_cast %mul3A_96 : i32 to index
        %get3A_98 = tpu.vector_load %arg6[%get3A_97] {strides = array<i32>} : memref<16384xi32, #tpu.memory_space<vmem>>, vector<16xi32>,
        %add3A_99 = arith.constant 3 : i32
        %add3A_100 = arith.addi %mul3A_81, %add3A_99 : i32
        %mul3A_101 = arith.constant 16 : i32
        %mul3A_102 = arith.muli %add3A_100, %mul3A_101 : i32
        %get3A_103 = arith.index_cast %mul3A_102 : i32 to index
        %get3A_104 = tpu.vector_load %arg6[%get3A_103] {strides = array<i32>} : memref<16384xi32, #tpu.memory_space<vmem>>, vector<16xi32>,
        %add3A_105 = arith.constant 4 : i32
        %add3A_106 = arith.addi %mul3A_81, %add3A_105 : i32
        %mul3A_107 = arith.constant 16 : i32
        %mul3A_108 = arith.muli %add3A_106, %mul3A_107 : i32
        %get3A_109 = arith.index_cast %mul3A_108 : i32 to index
        %get3A_110 = tpu.vector_load %arg6[%get3A_109] {strides = array<i32>} : memref<16384xi32, #tpu.memory_space<vmem>>, vector<16xi32>,
        %add3A_111 = arith.constant 5 : i32
        %add3A_112 = arith.addi %mul3A_81, %add3A_111 : i32
        %mul3A_113 = arith.constant 16 : i32
        %mul3A_114 = arith.muli %add3A_112, %mul3A_113 : i32
        %get3A_115 = arith.index_cast %mul3A_114 : i32 to index
        %get3A_116 = tpu.vector_load %arg6[%get3A_115] {strides = array<i32>} : memref<16384xi32, #tpu.memory_space<vmem>>, vector<16xi32>,
        %add3A_117 = arith.constant 6 : i32
        %add3A_118 = arith.addi %mul3A_81, %add3A_117 : i32
        %mul3A_119 = arith.constant 16 : i32
        %mul3A_120 = arith.muli %add3A_118, %mul3A_119 : i32
        %get3A_121 = arith.index_cast %mul3A_120 : i32 to index
        %get3A_122 = tpu.vector_load %arg6[%get3A_121] {strides = array<i32>} : memref<16384xi32, #tpu.memory_space<vmem>>, vector<16xi32>,
        %add3A_123 = arith.constant 7 : i32
        %add3A_124 = arith.addi %mul3A_81, %add3A_123 : i32
        %mul3A_125 = arith.constant 16 : i32
        %mul3A_126 = arith.muli %add3A_124, %mul3A_125 : i32
        %get3A_127 = arith.index_cast %mul3A_126 : i32 to index
        %get3A_128 = tpu.vector_load %arg6[%get3A_127] {strides = array<i32>} : memref<16384xi32, #tpu.memory_space<vmem>>, vector<16xi32>,
        %add3A_129 = arith.constant 0 : i32
        %add3A_130 = arith.addi %mul3A_81, %add3A_129 : i32
        %mul3A_131 = arith.constant 16 : i32
        %mul3A_132 = arith.muli %add3A_130, %mul3A_131 : i32
        %get3A_133 = arith.index_cast %mul3A_132 : i32 to index
        %get3A_134 = tpu.vector_load %arg7[%get3A_133] {strides = array<i32>} : memref<16384xi32, #tpu.memory_space<vmem>>, vector<16xi32>,
        %add3A_135 = arith.constant 1 : i32
        %add3A_136 = arith.addi %mul3A_81, %add3A_135 : i32
        %mul3A_137 = arith.constant 16 : i32
        %mul3A_138 = arith.muli %add3A_136, %mul3A_137 : i32
        %get3A_139 = arith.index_cast %mul3A_138 : i32 to index
        %get3A_140 = tpu.vector_load %arg7[%get3A_139] {strides = array<i32>} : memref<16384xi32, #tpu.memory_space<vmem>>, vector<16xi32>,
        %add3A_141 = arith.constant 2 : i32
        %add3A_142 = arith.addi %mul3A_81, %add3A_141 : i32
        %mul3A_143 = arith.constant 16 : i32
        %mul3A_144 = arith.muli %add3A_142, %mul3A_143 : i32
        %get3A_145 = arith.index_cast %mul3A_144 : i32 to index
        %get3A_146 = tpu.vector_load %arg7[%get3A_145] {strides = array<i32>} : memref<16384xi32, #tpu.memory_space<vmem>>, vector<16xi32>,
        %add3A_147 = arith.constant 3 : i32
        %add3A_148 = arith.addi %mul3A_81, %add3A_147 : i32
        %mul3A_149 = arith.constant 16 : i32
        %mul3A_150 = arith.muli %add3A_148, %mul3A_149 : i32
        %get3A_151 = arith.index_cast %mul3A_150 : i32 to index
        %get3A_152 = tpu.vector_load %arg7[%get3A_151] {strides = array<i32>} : memref<16384xi32, #tpu.memory_space<vmem>>, vector<16xi32>,
        %add3A_153 = arith.constant 4 : i32
        %add3A_154 = arith.addi %mul3A_81, %add3A_153 : i32
        %mul3A_155 = arith.constant 16 : i32
        %mul3A_156 = arith.muli %add3A_154, %mul3A_155 : i32
        %get3A_157 = arith.index_cast %mul3A_156 : i32 to index
        %get3A_158 = tpu.vector_load %arg7[%get3A_157] {strides = array<i32>} : memref<16384xi32, #tpu.memory_space<vmem>>, vector<16xi32>,
        %add3A_159 = arith.constant 5 : i32
        %add3A_160 = arith.addi %mul3A_81, %add3A_159 : i32
        %mul3A_161 = arith.constant 16 : i32
        %mul3A_162 = arith.muli %add3A_160, %mul3A_161 : i32
        %get3A_163 = arith.index_cast %mul3A_162 : i32 to index
        %get3A_164 = tpu.vector_load %arg7[%get3A_163] {strides = array<i32>} : memref<16384xi32, #tpu.memory_space<vmem>>, vector<16xi32>,
        %add3A_165 = arith.constant 6 : i32
        %add3A_166 = arith.addi %mul3A_81, %add3A_165 : i32
        %mul3A_167 = arith.constant 16 : i32
        %mul3A_168 = arith.muli %add3A_166, %mul3A_167 : i32
        %get3A_169 = arith.index_cast %mul3A_168 : i32 to index
        %get3A_170 = tpu.vector_load %arg7[%get3A_169] {strides = array<i32>} : memref<16384xi32, #tpu.memory_space<vmem>>, vector<16xi32>,
        %add3A_171 = arith.constant 7 : i32
        %add3A_172 = arith.addi %mul3A_81, %add3A_171 : i32
        %mul3A_173 = arith.constant 16 : i32
        %mul3A_174 = arith.muli %add3A_172, %mul3A_173 : i32
        %get3A_175 = arith.index_cast %mul3A_174 : i32 to index
        %get3A_176 = tpu.vector_load %arg7[%get3A_175] {strides = array<i32>} : memref<16384xi32, #tpu.memory_space<vmem>>, vector<16xi32>,
        %shift_right_logical3A = arith.constant 10 : i32
        %shift_right_logical3A_177 = vector.broadcast %shift_right_logical3A : i32 to vector<16xi32>
        %shift_right_logical3A_178 = arith.shrui %get3A_86, %shift_right_logical3A_177 : vector<16xi32>
        %and3A = arith.constant 1023 : i32
        %and3A_179 = vector.broadcast %and3A : i32 to vector<16xi32>
        %and3A_180 = arith.andi %shift_right_logical3A_178, %and3A_179 : vector<16xi32>
        %mul3A_181 = arith.constant 16 : i32
        %mul3A_182 = vector.broadcast %mul3A_181 : i32 to vector<16xi32>
        %mul3A_183 = arith.muli %and3A_180, %mul3A_182 : vector<16xi32>
        %add3A_184 = arith.addi %mul3A_183, %iota3A : vector<16xi32>
        %shift_right_logical3A_185 = arith.constant 10 : i32
        %shift_right_logical3A_186 = vector.broadcast %shift_right_logical3A_185 : i32 to vector<16xi32>
        %shift_right_logical3A_187 = arith.shrui %get3A_92, %shift_right_logical3A_186 : vector<16xi32>
        %and3A_188 = arith.constant 1023 : i32
        %and3A_189 = vector.broadcast %and3A_188 : i32 to vector<16xi32>
        %and3A_190 = arith.andi %shift_right_logical3A_187, %and3A_189 : vector<16xi32>
        %mul3A_191 = arith.constant 16 : i32
        %mul3A_192 = vector.broadcast %mul3A_191 : i32 to vector<16xi32>
        %mul3A_193 = arith.muli %and3A_190, %mul3A_192 : vector<16xi32>
        %add3A_194 = arith.addi %mul3A_193, %iota3A : vector<16xi32>
        %shift_right_logical3A_195 = arith.constant 10 : i32
        %shift_right_logical3A_196 = vector.broadcast %shift_right_logical3A_195 : i32 to vector<16xi32>
        %shift_right_logical3A_197 = arith.shrui %get3A_98, %shift_right_logical3A_196 : vector<16xi32>
        %and3A_198 = arith.constant 1023 : i32
        %and3A_199 = vector.broadcast %and3A_198 : i32 to vector<16xi32>
        %and3A_200 = arith.andi %shift_right_logical3A_197, %and3A_199 : vector<16xi32>
        %mul3A_201 = arith.constant 16 : i32
        %mul3A_202 = vector.broadcast %mul3A_201 : i32 to vector<16xi32>
        %mul3A_203 = arith.muli %and3A_200, %mul3A_202 : vector<16xi32>
        %add3A_204 = arith.addi %mul3A_203, %iota3A : vector<16xi32>
        %shift_right_logical3A_205 = arith.constant 10 : i32
        %shift_right_logical3A_206 = vector.broadcast %shift_right_logical3A_205 : i32 to vector<16xi32>
        %shift_right_logical3A_207 = arith.shrui %get3A_104, %shift_right_logical3A_206 : vector<16xi32>
        %and3A_208 = arith.constant 1023 : i32
        %and3A_209 = vector.broadcast %and3A_208 : i32 to vector<16xi32>
        %and3A_210 = arith.andi %shift_right_logical3A_207, %and3A_209 : vector<16xi32>
        %mul3A_211 = arith.constant 16 : i32
        %mul3A_212 = vector.broadcast %mul3A_211 : i32 to vector<16xi32>
        %mul3A_213 = arith.muli %and3A_210, %mul3A_212 : vector<16xi32>
        %add3A_214 = arith.addi %mul3A_213, %iota3A : vector<16xi32>
        %shift_right_logical3A_215 = arith.constant 10 : i32
        %shift_right_logical3A_216 = vector.broadcast %shift_right_logical3A_215 : i32 to vector<16xi32>
        %shift_right_logical3A_217 = arith.shrui %get3A_110, %shift_right_logical3A_216 : vector<16xi32>
        %and3A_218 = arith.constant 1023 : i32
        %and3A_219 = vector.broadcast %and3A_218 : i32 to vector<16xi32>
        %and3A_220 = arith.andi %shift_right_logical3A_217, %and3A_219 : vector<16xi32>
        %mul3A_221 = arith.constant 16 : i32
        %mul3A_222 = vector.broadcast %mul3A_221 : i32 to vector<16xi32>
        %mul3A_223 = arith.muli %and3A_220, %mul3A_222 : vector<16xi32>
        %add3A_224 = arith.addi %mul3A_223, %iota3A : vector<16xi32>
        %shift_right_logical3A_225 = arith.constant 10 : i32
        %shift_right_logical3A_226 = vector.broadcast %shift_right_logical3A_225 : i32 to vector<16xi32>
        %shift_right_logical3A_227 = arith.shrui %get3A_116, %shift_right_logical3A_226 : vector<16xi32>
        %and3A_228 = arith.constant 1023 : i32
        %and3A_229 = vector.broadcast %and3A_228 : i32 to vector<16xi32>
        %and3A_230 = arith.andi %shift_right_logical3A_227, %and3A_229 : vector<16xi32>
        %mul3A_231 = arith.constant 16 : i32
        %mul3A_232 = vector.broadcast %mul3A_231 : i32 to vector<16xi32>
        %mul3A_233 = arith.muli %and3A_230, %mul3A_232 : vector<16xi32>
        %add3A_234 = arith.addi %mul3A_233, %iota3A : vector<16xi32>
        %shift_right_logical3A_235 = arith.constant 10 : i32
        %shift_right_logical3A_236 = vector.broadcast %shift_right_logical3A_235 : i32 to vector<16xi32>
        %shift_right_logical3A_237 = arith.shrui %get3A_122, %shift_right_logical3A_236 : vector<16xi32>
        %and3A_238 = arith.constant 1023 : i32
        %and3A_239 = vector.broadcast %and3A_238 : i32 to vector<16xi32>
        %and3A_240 = arith.andi %shift_right_logical3A_237, %and3A_239 : vector<16xi32>
        %mul3A_241 = arith.constant 16 : i32
        %mul3A_242 = vector.broadcast %mul3A_241 : i32 to vector<16xi32>
        %mul3A_243 = arith.muli %and3A_240, %mul3A_242 : vector<16xi32>
        %add3A_244 = arith.addi %mul3A_243, %iota3A : vector<16xi32>
        %shift_right_logical3A_245 = arith.constant 10 : i32
        %shift_right_logical3A_246 = vector.broadcast %shift_right_logical3A_245 : i32 to vector<16xi32>
        %shift_right_logical3A_247 = arith.shrui %get3A_128, %shift_right_logical3A_246 : vector<16xi32>
        %and3A_248 = arith.constant 1023 : i32
        %and3A_249 = vector.broadcast %and3A_248 : i32 to vector<16xi32>
        %and3A_250 = arith.andi %shift_right_logical3A_247, %and3A_249 : vector<16xi32>
        %mul3A_251 = arith.constant 16 : i32
        %mul3A_252 = vector.broadcast %mul3A_251 : i32 to vector<16xi32>
        %mul3A_253 = arith.muli %and3A_250, %mul3A_252 : vector<16xi32>
        %add3A_254 = arith.addi %mul3A_253, %iota3A : vector<16xi32>
        %gather3A = tpu.vector_load_idx %arg9[%add3A_184] : memref<16384xi32, #tpu.memory_space<vmem>>[vector<16xi32>], vector<16xi32>,
        tpu.vector_store_idx %arg9[%add3A_184], %broadcast_in_dim3A_4 {add = true} : memref<16384xi32, #tpu.memory_space<vmem>>[vector<16xi32>], vector<16xi32>,
        %gather3A_255 = tpu.vector_load_idx %arg9[%add3A_194] : memref<16384xi32, #tpu.memory_space<vmem>>[vector<16xi32>], vector<16xi32>,
        tpu.vector_store_idx %arg9[%add3A_194], %broadcast_in_dim3A_4 {add = true} : memref<16384xi32, #tpu.memory_space<vmem>>[vector<16xi32>], vector<16xi32>,
        %gather3A_256 = tpu.vector_load_idx %arg9[%add3A_204] : memref<16384xi32, #tpu.memory_space<vmem>>[vector<16xi32>], vector<16xi32>,
        tpu.vector_store_idx %arg9[%add3A_204], %broadcast_in_dim3A_4 {add = true} : memref<16384xi32, #tpu.memory_space<vmem>>[vector<16xi32>], vector<16xi32>,
        %gather3A_257 = tpu.vector_load_idx %arg9[%add3A_214] : memref<16384xi32, #tpu.memory_space<vmem>>[vector<16xi32>], vector<16xi32>,
        tpu.vector_store_idx %arg9[%add3A_214], %broadcast_in_dim3A_4 {add = true} : memref<16384xi32, #tpu.memory_space<vmem>>[vector<16xi32>], vector<16xi32>,
        %gather3A_258 = tpu.vector_load_idx %arg9[%add3A_224] : memref<16384xi32, #tpu.memory_space<vmem>>[vector<16xi32>], vector<16xi32>,
        tpu.vector_store_idx %arg9[%add3A_224], %broadcast_in_dim3A_4 {add = true} : memref<16384xi32, #tpu.memory_space<vmem>>[vector<16xi32>], vector<16xi32>,
        %gather3A_259 = tpu.vector_load_idx %arg9[%add3A_234] : memref<16384xi32, #tpu.memory_space<vmem>>[vector<16xi32>], vector<16xi32>,
        tpu.vector_store_idx %arg9[%add3A_234], %broadcast_in_dim3A_4 {add = true} : memref<16384xi32, #tpu.memory_space<vmem>>[vector<16xi32>], vector<16xi32>,
        %gather3A_260 = tpu.vector_load_idx %arg9[%add3A_244] : memref<16384xi32, #tpu.memory_space<vmem>>[vector<16xi32>], vector<16xi32>,
        tpu.vector_store_idx %arg9[%add3A_244], %broadcast_in_dim3A_4 {add = true} : memref<16384xi32, #tpu.memory_space<vmem>>[vector<16xi32>], vector<16xi32>,
        %gather3A_261 = tpu.vector_load_idx %arg9[%add3A_254] : memref<16384xi32, #tpu.memory_space<vmem>>[vector<16xi32>], vector<16xi32>,
        tpu.vector_store_idx %arg9[%add3A_254], %broadcast_in_dim3A_4 {add = true} : memref<16384xi32, #tpu.memory_space<vmem>>[vector<16xi32>], vector<16xi32>,
        %mul3A_262 = arith.constant 16 : i32
        %mul3A_263 = vector.broadcast %mul3A_262 : i32 to vector<16xi32>
        %mul3A_264 = arith.muli %gather3A, %mul3A_263 : vector<16xi32>
        %add3A_265 = arith.addi %mul3A_264, %iota3A : vector<16xi32>
        %mul3A_266 = arith.constant 16 : i32
        %mul3A_267 = vector.broadcast %mul3A_266 : i32 to vector<16xi32>
        %mul3A_268 = arith.muli %gather3A_255, %mul3A_267 : vector<16xi32>
        %add3A_269 = arith.addi %mul3A_268, %iota3A : vector<16xi32>
        %mul3A_270 = arith.constant 16 : i32
        %mul3A_271 = vector.broadcast %mul3A_270 : i32 to vector<16xi32>
        %mul3A_272 = arith.muli %gather3A_256, %mul3A_271 : vector<16xi32>
        %add3A_273 = arith.addi %mul3A_272, %iota3A : vector<16xi32>
        %mul3A_274 = arith.constant 16 : i32
        %mul3A_275 = vector.broadcast %mul3A_274 : i32 to vector<16xi32>
        %mul3A_276 = arith.muli %gather3A_257, %mul3A_275 : vector<16xi32>
        %add3A_277 = arith.addi %mul3A_276, %iota3A : vector<16xi32>
        %mul3A_278 = arith.constant 16 : i32
        %mul3A_279 = vector.broadcast %mul3A_278 : i32 to vector<16xi32>
        %mul3A_280 = arith.muli %gather3A_258, %mul3A_279 : vector<16xi32>
        %add3A_281 = arith.addi %mul3A_280, %iota3A : vector<16xi32>
        %mul3A_282 = arith.constant 16 : i32
        %mul3A_283 = vector.broadcast %mul3A_282 : i32 to vector<16xi32>
        %mul3A_284 = arith.muli %gather3A_259, %mul3A_283 : vector<16xi32>
        %add3A_285 = arith.addi %mul3A_284, %iota3A : vector<16xi32>
        %mul3A_286 = arith.constant 16 : i32
        %mul3A_287 = vector.broadcast %mul3A_286 : i32 to vector<16xi32>
        %mul3A_288 = arith.muli %gather3A_260, %mul3A_287 : vector<16xi32>
        %add3A_289 = arith.addi %mul3A_288, %iota3A : vector<16xi32>
        %mul3A_290 = arith.constant 16 : i32
        %mul3A_291 = vector.broadcast %mul3A_290 : i32 to vector<16xi32>
        %mul3A_292 = arith.muli %gather3A_261, %mul3A_291 : vector<16xi32>
        %add3A_293 = arith.addi %mul3A_292, %iota3A : vector<16xi32>
        %shift_right_logical3A_294 = arith.constant 20 : i32
        %shift_right_logical3A_295 = vector.broadcast %shift_right_logical3A_294 : i32 to vector<16xi32>
        %shift_right_logical3A_296 = arith.shrui %get3A_86, %shift_right_logical3A_295 : vector<16xi32>
        %and3A_297 = arith.constant 1023 : i32
        %and3A_298 = vector.broadcast %and3A_297 : i32 to vector<16xi32>
        %and3A_299 = arith.andi %shift_right_logical3A_296, %and3A_298 : vector<16xi32>
        %mul3A_300 = arith.constant 16 : i32
        %mul3A_301 = vector.broadcast %mul3A_300 : i32 to vector<16xi32>
        %mul3A_302 = arith.muli %and3A_299, %mul3A_301 : vector<16xi32>
        %add3A_303 = arith.addi %mul3A_302, %iota3A : vector<16xi32>
        %shift_right_logical3A_304 = arith.constant 20 : i32
        %shift_right_logical3A_305 = vector.broadcast %shift_right_logical3A_304 : i32 to vector<16xi32>
        %shift_right_logical3A_306 = arith.shrui %get3A_92, %shift_right_logical3A_305 : vector<16xi32>
        %and3A_307 = arith.constant 1023 : i32
        %and3A_308 = vector.broadcast %and3A_307 : i32 to vector<16xi32>
        %and3A_309 = arith.andi %shift_right_logical3A_306, %and3A_308 : vector<16xi32>
        %mul3A_310 = arith.constant 16 : i32
        %mul3A_311 = vector.broadcast %mul3A_310 : i32 to vector<16xi32>
        %mul3A_312 = arith.muli %and3A_309, %mul3A_311 : vector<16xi32>
        %add3A_313 = arith.addi %mul3A_312, %iota3A : vector<16xi32>
        %shift_right_logical3A_314 = arith.constant 20 : i32
        %shift_right_logical3A_315 = vector.broadcast %shift_right_logical3A_314 : i32 to vector<16xi32>
        %shift_right_logical3A_316 = arith.shrui %get3A_98, %shift_right_logical3A_315 : vector<16xi32>
        %and3A_317 = arith.constant 1023 : i32
        %and3A_318 = vector.broadcast %and3A_317 : i32 to vector<16xi32>
        %and3A_319 = arith.andi %shift_right_logical3A_316, %and3A_318 : vector<16xi32>
        %mul3A_320 = arith.constant 16 : i32
        %mul3A_321 = vector.broadcast %mul3A_320 : i32 to vector<16xi32>
        %mul3A_322 = arith.muli %and3A_319, %mul3A_321 : vector<16xi32>
        %add3A_323 = arith.addi %mul3A_322, %iota3A : vector<16xi32>
        %shift_right_logical3A_324 = arith.constant 20 : i32
        %shift_right_logical3A_325 = vector.broadcast %shift_right_logical3A_324 : i32 to vector<16xi32>
        %shift_right_logical3A_326 = arith.shrui %get3A_104, %shift_right_logical3A_325 : vector<16xi32>
        %and3A_327 = arith.constant 1023 : i32
        %and3A_328 = vector.broadcast %and3A_327 : i32 to vector<16xi32>
        %and3A_329 = arith.andi %shift_right_logical3A_326, %and3A_328 : vector<16xi32>
        %mul3A_330 = arith.constant 16 : i32
        %mul3A_331 = vector.broadcast %mul3A_330 : i32 to vector<16xi32>
        %mul3A_332 = arith.muli %and3A_329, %mul3A_331 : vector<16xi32>
        %add3A_333 = arith.addi %mul3A_332, %iota3A : vector<16xi32>
        %shift_right_logical3A_334 = arith.constant 20 : i32
        %shift_right_logical3A_335 = vector.broadcast %shift_right_logical3A_334 : i32 to vector<16xi32>
        %shift_right_logical3A_336 = arith.shrui %get3A_110, %shift_right_logical3A_335 : vector<16xi32>
        %and3A_337 = arith.constant 1023 : i32
        %and3A_338 = vector.broadcast %and3A_337 : i32 to vector<16xi32>
        %and3A_339 = arith.andi %shift_right_logical3A_336, %and3A_338 : vector<16xi32>
        %mul3A_340 = arith.constant 16 : i32
        %mul3A_341 = vector.broadcast %mul3A_340 : i32 to vector<16xi32>
        %mul3A_342 = arith.muli %and3A_339, %mul3A_341 : vector<16xi32>
        %add3A_343 = arith.addi %mul3A_342, %iota3A : vector<16xi32>
        %shift_right_logical3A_344 = arith.constant 20 : i32
        %shift_right_logical3A_345 = vector.broadcast %shift_right_logical3A_344 : i32 to vector<16xi32>
        %shift_right_logical3A_346 = arith.shrui %get3A_116, %shift_right_logical3A_345 : vector<16xi32>
        %and3A_347 = arith.constant 1023 : i32
        %and3A_348 = vector.broadcast %and3A_347 : i32 to vector<16xi32>
        %and3A_349 = arith.andi %shift_right_logical3A_346, %and3A_348 : vector<16xi32>
        %mul3A_350 = arith.constant 16 : i32
        %mul3A_351 = vector.broadcast %mul3A_350 : i32 to vector<16xi32>
        %mul3A_352 = arith.muli %and3A_349, %mul3A_351 : vector<16xi32>
        %add3A_353 = arith.addi %mul3A_352, %iota3A : vector<16xi32>
        %shift_right_logical3A_354 = arith.constant 20 : i32
        %shift_right_logical3A_355 = vector.broadcast %shift_right_logical3A_354 : i32 to vector<16xi32>
        %shift_right_logical3A_356 = arith.shrui %get3A_122, %shift_right_logical3A_355 : vector<16xi32>
        %and3A_357 = arith.constant 1023 : i32
        %and3A_358 = vector.broadcast %and3A_357 : i32 to vector<16xi32>
        %and3A_359 = arith.andi %shift_right_logical3A_356, %and3A_358 : vector<16xi32>
        %mul3A_360 = arith.constant 16 : i32
        %mul3A_361 = vector.broadcast %mul3A_360 : i32 to vector<16xi32>
        %mul3A_362 = arith.muli %and3A_359, %mul3A_361 : vector<16xi32>
        %add3A_363 = arith.addi %mul3A_362, %iota3A : vector<16xi32>
        %shift_right_logical3A_364 = arith.constant 20 : i32
        %shift_right_logical3A_365 = vector.broadcast %shift_right_logical3A_364 : i32 to vector<16xi32>
        %shift_right_logical3A_366 = arith.shrui %get3A_128, %shift_right_logical3A_365 : vector<16xi32>
        %and3A_367 = arith.constant 1023 : i32
        %and3A_368 = vector.broadcast %and3A_367 : i32 to vector<16xi32>
        %and3A_369 = arith.andi %shift_right_logical3A_366, %and3A_368 : vector<16xi32>
        %mul3A_370 = arith.constant 16 : i32
        %mul3A_371 = vector.broadcast %mul3A_370 : i32 to vector<16xi32>
        %mul3A_372 = arith.muli %and3A_369, %mul3A_371 : vector<16xi32>
        %add3A_373 = arith.addi %mul3A_372, %iota3A : vector<16xi32>
        tpu.vector_store_idx %arg5[%add3A_265], %get3A_86 : memref<16384xi32, #tpu.memory_space<vmem>>[vector<16xi32>], vector<16xi32>,
        tpu.vector_store_idx %arg4[%add3A_265], %get3A_134 : memref<16384xi32, #tpu.memory_space<vmem>>[vector<16xi32>], vector<16xi32>,
        tpu.vector_store_idx %arg8[%add3A_303], %broadcast_in_dim3A_4 {add = true} : memref<16384xi32, #tpu.memory_space<vmem>>[vector<16xi32>], vector<16xi32>,
        tpu.vector_store_idx %arg5[%add3A_269], %get3A_92 : memref<16384xi32, #tpu.memory_space<vmem>>[vector<16xi32>], vector<16xi32>,
        tpu.vector_store_idx %arg4[%add3A_269], %get3A_140 : memref<16384xi32, #tpu.memory_space<vmem>>[vector<16xi32>], vector<16xi32>,
        tpu.vector_store_idx %arg8[%add3A_313], %broadcast_in_dim3A_4 {add = true} : memref<16384xi32, #tpu.memory_space<vmem>>[vector<16xi32>], vector<16xi32>,
        tpu.vector_store_idx %arg5[%add3A_273], %get3A_98 : memref<16384xi32, #tpu.memory_space<vmem>>[vector<16xi32>], vector<16xi32>,
        tpu.vector_store_idx %arg4[%add3A_273], %get3A_146 : memref<16384xi32, #tpu.memory_space<vmem>>[vector<16xi32>], vector<16xi32>,
        tpu.vector_store_idx %arg8[%add3A_323], %broadcast_in_dim3A_4 {add = true} : memref<16384xi32, #tpu.memory_space<vmem>>[vector<16xi32>], vector<16xi32>,
        tpu.vector_store_idx %arg5[%add3A_277], %get3A_104 : memref<16384xi32, #tpu.memory_space<vmem>>[vector<16xi32>], vector<16xi32>,
        tpu.vector_store_idx %arg4[%add3A_277], %get3A_152 : memref<16384xi32, #tpu.memory_space<vmem>>[vector<16xi32>], vector<16xi32>,
        tpu.vector_store_idx %arg8[%add3A_333], %broadcast_in_dim3A_4 {add = true} : memref<16384xi32, #tpu.memory_space<vmem>>[vector<16xi32>], vector<16xi32>,
        tpu.vector_store_idx %arg5[%add3A_281], %get3A_110 : memref<16384xi32, #tpu.memory_space<vmem>>[vector<16xi32>], vector<16xi32>,
        tpu.vector_store_idx %arg4[%add3A_281], %get3A_158 : memref<16384xi32, #tpu.memory_space<vmem>>[vector<16xi32>], vector<16xi32>,
        tpu.vector_store_idx %arg8[%add3A_343], %broadcast_in_dim3A_4 {add = true} : memref<16384xi32, #tpu.memory_space<vmem>>[vector<16xi32>], vector<16xi32>,
        tpu.vector_store_idx %arg5[%add3A_285], %get3A_116 : memref<16384xi32, #tpu.memory_space<vmem>>[vector<16xi32>], vector<16xi32>,
        tpu.vector_store_idx %arg4[%add3A_285], %get3A_164 : memref<16384xi32, #tpu.memory_space<vmem>>[vector<16xi32>], vector<16xi32>,
        tpu.vector_store_idx %arg8[%add3A_353], %broadcast_in_dim3A_4 {add = true} : memref<16384xi32, #tpu.memory_space<vmem>>[vector<16xi32>], vector<16xi32>,
        tpu.vector_store_idx %arg5[%add3A_289], %get3A_122 : memref<16384xi32, #tpu.memory_space<vmem>>[vector<16xi32>], vector<16xi32>,
        tpu.vector_store_idx %arg4[%add3A_289], %get3A_170 : memref<16384xi32, #tpu.memory_space<vmem>>[vector<16xi32>], vector<16xi32>,
        tpu.vector_store_idx %arg8[%add3A_363], %broadcast_in_dim3A_4 {add = true} : memref<16384xi32, #tpu.memory_space<vmem>>[vector<16xi32>], vector<16xi32>,
        tpu.vector_store_idx %arg5[%add3A_293], %get3A_128 : memref<16384xi32, #tpu.memory_space<vmem>>[vector<16xi32>], vector<16xi32>,
        tpu.vector_store_idx %arg4[%add3A_293], %get3A_176 : memref<16384xi32, #tpu.memory_space<vmem>>[vector<16xi32>], vector<16xi32>,
        tpu.vector_store_idx %arg8[%add3A_373], %broadcast_in_dim3A_4 {add = true} : memref<16384xi32, #tpu.memory_space<vmem>>[vector<16xi32>], vector<16xi32>,
        %scan3A_374 = arith.constant 0 : i32
        scf.yield %scan3A_374 : i32
      }
      %scan3A_61 = arith.constant 125 : i32
      %scan3A_62 = arith.constant 0 : i32
      %scan3A_63 = arith.constant 128 : i32
      %scan3A_64 = arith.addi %scan3A_62, %scan3A_63 : i32
      %scan3A_65 = arith.constant 1 : i32
      %scan3A_66 = scf.for %scan3A_78 = %scan3A_62 to %scan3A_64 step %scan3A_65 iter_args(%scan3A_79 = %broadcast_in_dim3A_6) -> (vector<16xi32>)  : i32 {
        %mul3A_80 = arith.constant 8 : i32
        %mul3A_81 = arith.muli %scan3A_78, %mul3A_80 : i32
        %add3A_82 = arith.constant 0 : i32
        %add3A_83 = arith.addi %mul3A_81, %add3A_82 : i32
        %mul3A_84 = arith.constant 16 : i32
        %mul3A_85 = arith.muli %add3A_83, %mul3A_84 : i32
        %get3A = arith.index_cast %mul3A_85 : i32 to index
        %get3A_86 = tpu.vector_load %arg8[%get3A] {strides = array<i32>} : memref<16384xi32, #tpu.memory_space<vmem>>, vector<16xi32>,
        %add3A_87 = arith.constant 1 : i32
        %add3A_88 = arith.addi %mul3A_81, %add3A_87 : i32
        %mul3A_89 = arith.constant 16 : i32
        %mul3A_90 = arith.muli %add3A_88, %mul3A_89 : i32
        %get3A_91 = arith.index_cast %mul3A_90 : i32 to index
        %get3A_92 = tpu.vector_load %arg8[%get3A_91] {strides = array<i32>} : memref<16384xi32, #tpu.memory_space<vmem>>, vector<16xi32>,
        %add3A_93 = arith.constant 2 : i32
        %add3A_94 = arith.addi %mul3A_81, %add3A_93 : i32
        %mul3A_95 = arith.constant 16 : i32
        %mul3A_96 = arith.muli %add3A_94, %mul3A_95 : i32
        %get3A_97 = arith.index_cast %mul3A_96 : i32 to index
        %get3A_98 = tpu.vector_load %arg8[%get3A_97] {strides = array<i32>} : memref<16384xi32, #tpu.memory_space<vmem>>, vector<16xi32>,
        %add3A_99 = arith.constant 3 : i32
        %add3A_100 = arith.addi %mul3A_81, %add3A_99 : i32
        %mul3A_101 = arith.constant 16 : i32
        %mul3A_102 = arith.muli %add3A_100, %mul3A_101 : i32
        %get3A_103 = arith.index_cast %mul3A_102 : i32 to index
        %get3A_104 = tpu.vector_load %arg8[%get3A_103] {strides = array<i32>} : memref<16384xi32, #tpu.memory_space<vmem>>, vector<16xi32>,
        %add3A_105 = arith.constant 4 : i32
        %add3A_106 = arith.addi %mul3A_81, %add3A_105 : i32
        %mul3A_107 = arith.constant 16 : i32
        %mul3A_108 = arith.muli %add3A_106, %mul3A_107 : i32
        %get3A_109 = arith.index_cast %mul3A_108 : i32 to index
        %get3A_110 = tpu.vector_load %arg8[%get3A_109] {strides = array<i32>} : memref<16384xi32, #tpu.memory_space<vmem>>, vector<16xi32>,
        %add3A_111 = arith.constant 5 : i32
        %add3A_112 = arith.addi %mul3A_81, %add3A_111 : i32
        %mul3A_113 = arith.constant 16 : i32
        %mul3A_114 = arith.muli %add3A_112, %mul3A_113 : i32
        %get3A_115 = arith.index_cast %mul3A_114 : i32 to index
        %get3A_116 = tpu.vector_load %arg8[%get3A_115] {strides = array<i32>} : memref<16384xi32, #tpu.memory_space<vmem>>, vector<16xi32>,
        %add3A_117 = arith.constant 6 : i32
        %add3A_118 = arith.addi %mul3A_81, %add3A_117 : i32
        %mul3A_119 = arith.constant 16 : i32
        %mul3A_120 = arith.muli %add3A_118, %mul3A_119 : i32
        %get3A_121 = arith.index_cast %mul3A_120 : i32 to index
        %get3A_122 = tpu.vector_load %arg8[%get3A_121] {strides = array<i32>} : memref<16384xi32, #tpu.memory_space<vmem>>, vector<16xi32>,
        %add3A_123 = arith.constant 7 : i32
        %add3A_124 = arith.addi %mul3A_81, %add3A_123 : i32
        %mul3A_125 = arith.constant 16 : i32
        %mul3A_126 = arith.muli %add3A_124, %mul3A_125 : i32
        %get3A_127 = arith.index_cast %mul3A_126 : i32 to index
        %get3A_128 = tpu.vector_load %arg8[%get3A_127] {strides = array<i32>} : memref<16384xi32, #tpu.memory_space<vmem>>, vector<16xi32>,
        %add3A_129 = arith.constant 0 : i32
        %add3A_130 = arith.addi %mul3A_81, %add3A_129 : i32
        %mul3A_131 = arith.constant 16 : i32
        %mul3A_132 = arith.muli %add3A_130, %mul3A_131 : i32
        %swap3A = arith.index_cast %mul3A_132 : i32 to index
        %swap3A_133 = tpu.vector_load %arg8[%swap3A] {strides = array<i32>} : memref<16384xi32, #tpu.memory_space<vmem>>, vector<16xi32>,
        tpu.vector_store %arg8[%swap3A], %scan3A_79 {strides = array<i32>} : memref<16384xi32, #tpu.memory_space<vmem>>, vector<16xi32>,
        %add3A_134 = arith.addi %scan3A_79, %get3A_86 : vector<16xi32>
        %add3A_135 = arith.constant 1 : i32
        %add3A_136 = arith.addi %mul3A_81, %add3A_135 : i32
        %mul3A_137 = arith.constant 16 : i32
        %mul3A_138 = arith.muli %add3A_136, %mul3A_137 : i32
        %swap3A_139 = arith.index_cast %mul3A_138 : i32 to index
        %swap3A_140 = tpu.vector_load %arg8[%swap3A_139] {strides = array<i32>} : memref<16384xi32, #tpu.memory_space<vmem>>, vector<16xi32>,
        tpu.vector_store %arg8[%swap3A_139], %add3A_134 {strides = array<i32>} : memref<16384xi32, #tpu.memory_space<vmem>>, vector<16xi32>,
        %add3A_141 = arith.addi %add3A_134, %get3A_92 : vector<16xi32>
        %add3A_142 = arith.constant 2 : i32
        %add3A_143 = arith.addi %mul3A_81, %add3A_142 : i32
        %mul3A_144 = arith.constant 16 : i32
        %mul3A_145 = arith.muli %add3A_143, %mul3A_144 : i32
        %swap3A_146 = arith.index_cast %mul3A_145 : i32 to index
        %swap3A_147 = tpu.vector_load %arg8[%swap3A_146] {strides = array<i32>} : memref<16384xi32, #tpu.memory_space<vmem>>, vector<16xi32>,
        tpu.vector_store %arg8[%swap3A_146], %add3A_141 {strides = array<i32>} : memref<16384xi32, #tpu.memory_space<vmem>>, vector<16xi32>,
        %add3A_148 = arith.addi %add3A_141, %get3A_98 : vector<16xi32>
        %add3A_149 = arith.constant 3 : i32
        %add3A_150 = arith.addi %mul3A_81, %add3A_149 : i32
        %mul3A_151 = arith.constant 16 : i32
        %mul3A_152 = arith.muli %add3A_150, %mul3A_151 : i32
        %swap3A_153 = arith.index_cast %mul3A_152 : i32 to index
        %swap3A_154 = tpu.vector_load %arg8[%swap3A_153] {strides = array<i32>} : memref<16384xi32, #tpu.memory_space<vmem>>, vector<16xi32>,
        tpu.vector_store %arg8[%swap3A_153], %add3A_148 {strides = array<i32>} : memref<16384xi32, #tpu.memory_space<vmem>>, vector<16xi32>,
        %add3A_155 = arith.addi %add3A_148, %get3A_104 : vector<16xi32>
        %add3A_156 = arith.constant 4 : i32
        %add3A_157 = arith.addi %mul3A_81, %add3A_156 : i32
        %mul3A_158 = arith.constant 16 : i32
        %mul3A_159 = arith.muli %add3A_157, %mul3A_158 : i32
        %swap3A_160 = arith.index_cast %mul3A_159 : i32 to index
        %swap3A_161 = tpu.vector_load %arg8[%swap3A_160] {strides = array<i32>} : memref<16384xi32, #tpu.memory_space<vmem>>, vector<16xi32>,
        tpu.vector_store %arg8[%swap3A_160], %add3A_155 {strides = array<i32>} : memref<16384xi32, #tpu.memory_space<vmem>>, vector<16xi32>,
        %add3A_162 = arith.addi %add3A_155, %get3A_110 : vector<16xi32>
        %add3A_163 = arith.constant 5 : i32
        %add3A_164 = arith.addi %mul3A_81, %add3A_163 : i32
        %mul3A_165 = arith.constant 16 : i32
        %mul3A_166 = arith.muli %add3A_164, %mul3A_165 : i32
        %swap3A_167 = arith.index_cast %mul3A_166 : i32 to index
        %swap3A_168 = tpu.vector_load %arg8[%swap3A_167] {strides = array<i32>} : memref<16384xi32, #tpu.memory_space<vmem>>, vector<16xi32>,
        tpu.vector_store %arg8[%swap3A_167], %add3A_162 {strides = array<i32>} : memref<16384xi32, #tpu.memory_space<vmem>>, vector<16xi32>,
        %add3A_169 = arith.addi %add3A_162, %get3A_116 : vector<16xi32>
        %add3A_170 = arith.constant 6 : i32
        %add3A_171 = arith.addi %mul3A_81, %add3A_170 : i32
        %mul3A_172 = arith.constant 16 : i32
        %mul3A_173 = arith.muli %add3A_171, %mul3A_172 : i32
        %swap3A_174 = arith.index_cast %mul3A_173 : i32 to index
        %swap3A_175 = tpu.vector_load %arg8[%swap3A_174] {strides = array<i32>} : memref<16384xi32, #tpu.memory_space<vmem>>, vector<16xi32>,
        tpu.vector_store %arg8[%swap3A_174], %add3A_169 {strides = array<i32>} : memref<16384xi32, #tpu.memory_space<vmem>>, vector<16xi32>,
        %add3A_176 = arith.addi %add3A_169, %get3A_122 : vector<16xi32>
        %add3A_177 = arith.constant 7 : i32
        %add3A_178 = arith.addi %mul3A_81, %add3A_177 : i32
        %mul3A_179 = arith.constant 16 : i32
        %mul3A_180 = arith.muli %add3A_178, %mul3A_179 : i32
        %swap3A_181 = arith.index_cast %mul3A_180 : i32 to index
        %swap3A_182 = tpu.vector_load %arg8[%swap3A_181] {strides = array<i32>} : memref<16384xi32, #tpu.memory_space<vmem>>, vector<16xi32>,
        tpu.vector_store %arg8[%swap3A_181], %add3A_176 {strides = array<i32>} : memref<16384xi32, #tpu.memory_space<vmem>>, vector<16xi32>,
        %add3A_183 = arith.addi %add3A_176, %get3A_128 : vector<16xi32>
        scf.yield %add3A_183 : vector<16xi32>
      }
      %scan3A_67 = arith.constant 128 : i32
      %scan3A_68 = arith.constant 0 : i32
      %scan3A_69 = arith.constant 0 : i32
      %scan3A_70 = arith.constant 125 : i32
      %scan3A_71 = arith.addi %scan3A_69, %scan3A_70 : i32
      %scan3A_72 = arith.constant 1 : i32
      %scan3A_73 = scf.for %scan3A_78 = %scan3A_69 to %scan3A_71 step %scan3A_72 iter_args(%scan3A_79 = %scan3A_68) -> (i32)  : i32 {
        %mul3A_80 = arith.constant 8 : i32
        %mul3A_81 = arith.muli %scan3A_78, %mul3A_80 : i32
        %add3A_82 = arith.constant 0 : i32
        %add3A_83 = arith.addi %mul3A_81, %add3A_82 : i32
        %mul3A_84 = arith.constant 16 : i32
        %mul3A_85 = arith.muli %add3A_83, %mul3A_84 : i32
        %get3A = arith.index_cast %mul3A_85 : i32 to index
        %get3A_86 = tpu.vector_load %arg5[%get3A] {strides = array<i32>} : memref<16384xi32, #tpu.memory_space<vmem>>, vector<16xi32>,
        %add3A_87 = arith.constant 1 : i32
        %add3A_88 = arith.addi %mul3A_81, %add3A_87 : i32
        %mul3A_89 = arith.constant 16 : i32
        %mul3A_90 = arith.muli %add3A_88, %mul3A_89 : i32
        %get3A_91 = arith.index_cast %mul3A_90 : i32 to index
        %get3A_92 = tpu.vector_load %arg5[%get3A_91] {strides = array<i32>} : memref<16384xi32, #tpu.memory_space<vmem>>, vector<16xi32>,
        %add3A_93 = arith.constant 2 : i32
        %add3A_94 = arith.addi %mul3A_81, %add3A_93 : i32
        %mul3A_95 = arith.constant 16 : i32
        %mul3A_96 = arith.muli %add3A_94, %mul3A_95 : i32
        %get3A_97 = arith.index_cast %mul3A_96 : i32 to index
        %get3A_98 = tpu.vector_load %arg5[%get3A_97] {strides = array<i32>} : memref<16384xi32, #tpu.memory_space<vmem>>, vector<16xi32>,
        %add3A_99 = arith.constant 3 : i32
        %add3A_100 = arith.addi %mul3A_81, %add3A_99 : i32
        %mul3A_101 = arith.constant 16 : i32
        %mul3A_102 = arith.muli %add3A_100, %mul3A_101 : i32
        %get3A_103 = arith.index_cast %mul3A_102 : i32 to index
        %get3A_104 = tpu.vector_load %arg5[%get3A_103] {strides = array<i32>} : memref<16384xi32, #tpu.memory_space<vmem>>, vector<16xi32>,
        %add3A_105 = arith.constant 4 : i32
        %add3A_106 = arith.addi %mul3A_81, %add3A_105 : i32
        %mul3A_107 = arith.constant 16 : i32
        %mul3A_108 = arith.muli %add3A_106, %mul3A_107 : i32
        %get3A_109 = arith.index_cast %mul3A_108 : i32 to index
        %get3A_110 = tpu.vector_load %arg5[%get3A_109] {strides = array<i32>} : memref<16384xi32, #tpu.memory_space<vmem>>, vector<16xi32>,
        %add3A_111 = arith.constant 5 : i32
        %add3A_112 = arith.addi %mul3A_81, %add3A_111 : i32
        %mul3A_113 = arith.constant 16 : i32
        %mul3A_114 = arith.muli %add3A_112, %mul3A_113 : i32
        %get3A_115 = arith.index_cast %mul3A_114 : i32 to index
        %get3A_116 = tpu.vector_load %arg5[%get3A_115] {strides = array<i32>} : memref<16384xi32, #tpu.memory_space<vmem>>, vector<16xi32>,
        %add3A_117 = arith.constant 6 : i32
        %add3A_118 = arith.addi %mul3A_81, %add3A_117 : i32
        %mul3A_119 = arith.constant 16 : i32
        %mul3A_120 = arith.muli %add3A_118, %mul3A_119 : i32
        %get3A_121 = arith.index_cast %mul3A_120 : i32 to index
        %get3A_122 = tpu.vector_load %arg5[%get3A_121] {strides = array<i32>} : memref<16384xi32, #tpu.memory_space<vmem>>, vector<16xi32>,
        %add3A_123 = arith.constant 7 : i32
        %add3A_124 = arith.addi %mul3A_81, %add3A_123 : i32
        %mul3A_125 = arith.constant 16 : i32
        %mul3A_126 = arith.muli %add3A_124, %mul3A_125 : i32
        %get3A_127 = arith.index_cast %mul3A_126 : i32 to index
        %get3A_128 = tpu.vector_load %arg5[%get3A_127] {strides = array<i32>} : memref<16384xi32, #tpu.memory_space<vmem>>, vector<16xi32>,
        %add3A_129 = arith.constant 0 : i32
        %add3A_130 = arith.addi %mul3A_81, %add3A_129 : i32
        %mul3A_131 = arith.constant 16 : i32
        %mul3A_132 = arith.muli %add3A_130, %mul3A_131 : i32
        %get3A_133 = arith.index_cast %mul3A_132 : i32 to index
        %get3A_134 = tpu.vector_load %arg4[%get3A_133] {strides = array<i32>} : memref<16384xi32, #tpu.memory_space<vmem>>, vector<16xi32>,
        %add3A_135 = arith.constant 1 : i32
        %add3A_136 = arith.addi %mul3A_81, %add3A_135 : i32
        %mul3A_137 = arith.constant 16 : i32
        %mul3A_138 = arith.muli %add3A_136, %mul3A_137 : i32
        %get3A_139 = arith.index_cast %mul3A_138 : i32 to index
        %get3A_140 = tpu.vector_load %arg4[%get3A_139] {strides = array<i32>} : memref<16384xi32, #tpu.memory_space<vmem>>, vector<16xi32>,
        %add3A_141 = arith.constant 2 : i32
        %add3A_142 = arith.addi %mul3A_81, %add3A_141 : i32
        %mul3A_143 = arith.constant 16 : i32
        %mul3A_144 = arith.muli %add3A_142, %mul3A_143 : i32
        %get3A_145 = arith.index_cast %mul3A_144 : i32 to index
        %get3A_146 = tpu.vector_load %arg4[%get3A_145] {strides = array<i32>} : memref<16384xi32, #tpu.memory_space<vmem>>, vector<16xi32>,
        %add3A_147 = arith.constant 3 : i32
        %add3A_148 = arith.addi %mul3A_81, %add3A_147 : i32
        %mul3A_149 = arith.constant 16 : i32
        %mul3A_150 = arith.muli %add3A_148, %mul3A_149 : i32
        %get3A_151 = arith.index_cast %mul3A_150 : i32 to index
        %get3A_152 = tpu.vector_load %arg4[%get3A_151] {strides = array<i32>} : memref<16384xi32, #tpu.memory_space<vmem>>, vector<16xi32>,
        %add3A_153 = arith.constant 4 : i32
        %add3A_154 = arith.addi %mul3A_81, %add3A_153 : i32
        %mul3A_155 = arith.constant 16 : i32
        %mul3A_156 = arith.muli %add3A_154, %mul3A_155 : i32
        %get3A_157 = arith.index_cast %mul3A_156 : i32 to index
        %get3A_158 = tpu.vector_load %arg4[%get3A_157] {strides = array<i32>} : memref<16384xi32, #tpu.memory_space<vmem>>, vector<16xi32>,
        %add3A_159 = arith.constant 5 : i32
        %add3A_160 = arith.addi %mul3A_81, %add3A_159 : i32
        %mul3A_161 = arith.constant 16 : i32
        %mul3A_162 = arith.muli %add3A_160, %mul3A_161 : i32
        %get3A_163 = arith.index_cast %mul3A_162 : i32 to index
        %get3A_164 = tpu.vector_load %arg4[%get3A_163] {strides = array<i32>} : memref<16384xi32, #tpu.memory_space<vmem>>, vector<16xi32>,
        %add3A_165 = arith.constant 6 : i32
        %add3A_166 = arith.addi %mul3A_81, %add3A_165 : i32
        %mul3A_167 = arith.constant 16 : i32
        %mul3A_168 = arith.muli %add3A_166, %mul3A_167 : i32
        %get3A_169 = arith.index_cast %mul3A_168 : i32 to index
        %get3A_170 = tpu.vector_load %arg4[%get3A_169] {strides = array<i32>} : memref<16384xi32, #tpu.memory_space<vmem>>, vector<16xi32>,
        %add3A_171 = arith.constant 7 : i32
        %add3A_172 = arith.addi %mul3A_81, %add3A_171 : i32
        %mul3A_173 = arith.constant 16 : i32
        %mul3A_174 = arith.muli %add3A_172, %mul3A_173 : i32
        %get3A_175 = arith.index_cast %mul3A_174 : i32 to index
        %get3A_176 = tpu.vector_load %arg4[%get3A_175] {strides = array<i32>} : memref<16384xi32, #tpu.memory_space<vmem>>, vector<16xi32>,
        %shift_right_logical3A = arith.constant 20 : i32
        %shift_right_logical3A_177 = vector.broadcast %shift_right_logical3A : i32 to vector<16xi32>
        %shift_right_logical3A_178 = arith.shrui %get3A_86, %shift_right_logical3A_177 : vector<16xi32>
        %and3A = arith.constant 1023 : i32
        %and3A_179 = vector.broadcast %and3A : i32 to vector<16xi32>
        %and3A_180 = arith.andi %shift_right_logical3A_178, %and3A_179 : vector<16xi32>
        %mul3A_181 = arith.constant 16 : i32
        %mul3A_182 = vector.broadcast %mul3A_181 : i32 to vector<16xi32>
        %mul3A_183 = arith.muli %and3A_180, %mul3A_182 : vector<16xi32>
        %add3A_184 = arith.addi %mul3A_183, %iota3A : vector<16xi32>
        %shift_right_logical3A_185 = arith.constant 20 : i32
        %shift_right_logical3A_186 = vector.broadcast %shift_right_logical3A_185 : i32 to vector<16xi32>
        %shift_right_logical3A_187 = arith.shrui %get3A_92, %shift_right_logical3A_186 : vector<16xi32>
        %and3A_188 = arith.constant 1023 : i32
        %and3A_189 = vector.broadcast %and3A_188 : i32 to vector<16xi32>
        %and3A_190 = arith.andi %shift_right_logical3A_187, %and3A_189 : vector<16xi32>
        %mul3A_191 = arith.constant 16 : i32
        %mul3A_192 = vector.broadcast %mul3A_191 : i32 to vector<16xi32>
        %mul3A_193 = arith.muli %and3A_190, %mul3A_192 : vector<16xi32>
        %add3A_194 = arith.addi %mul3A_193, %iota3A : vector<16xi32>
        %shift_right_logical3A_195 = arith.constant 20 : i32
        %shift_right_logical3A_196 = vector.broadcast %shift_right_logical3A_195 : i32 to vector<16xi32>
        %shift_right_logical3A_197 = arith.shrui %get3A_98, %shift_right_logical3A_196 : vector<16xi32>
        %and3A_198 = arith.constant 1023 : i32
        %and3A_199 = vector.broadcast %and3A_198 : i32 to vector<16xi32>
        %and3A_200 = arith.andi %shift_right_logical3A_197, %and3A_199 : vector<16xi32>
        %mul3A_201 = arith.constant 16 : i32
        %mul3A_202 = vector.broadcast %mul3A_201 : i32 to vector<16xi32>
        %mul3A_203 = arith.muli %and3A_200, %mul3A_202 : vector<16xi32>
        %add3A_204 = arith.addi %mul3A_203, %iota3A : vector<16xi32>
        %shift_right_logical3A_205 = arith.constant 20 : i32
        %shift_right_logical3A_206 = vector.broadcast %shift_right_logical3A_205 : i32 to vector<16xi32>
        %shift_right_logical3A_207 = arith.shrui %get3A_104, %shift_right_logical3A_206 : vector<16xi32>
        %and3A_208 = arith.constant 1023 : i32
        %and3A_209 = vector.broadcast %and3A_208 : i32 to vector<16xi32>
        %and3A_210 = arith.andi %shift_right_logical3A_207, %and3A_209 : vector<16xi32>
        %mul3A_211 = arith.constant 16 : i32
        %mul3A_212 = vector.broadcast %mul3A_211 : i32 to vector<16xi32>
        %mul3A_213 = arith.muli %and3A_210, %mul3A_212 : vector<16xi32>
        %add3A_214 = arith.addi %mul3A_213, %iota3A : vector<16xi32>
        %shift_right_logical3A_215 = arith.constant 20 : i32
        %shift_right_logical3A_216 = vector.broadcast %shift_right_logical3A_215 : i32 to vector<16xi32>
        %shift_right_logical3A_217 = arith.shrui %get3A_110, %shift_right_logical3A_216 : vector<16xi32>
        %and3A_218 = arith.constant 1023 : i32
        %and3A_219 = vector.broadcast %and3A_218 : i32 to vector<16xi32>
        %and3A_220 = arith.andi %shift_right_logical3A_217, %and3A_219 : vector<16xi32>
        %mul3A_221 = arith.constant 16 : i32
        %mul3A_222 = vector.broadcast %mul3A_221 : i32 to vector<16xi32>
        %mul3A_223 = arith.muli %and3A_220, %mul3A_222 : vector<16xi32>
        %add3A_224 = arith.addi %mul3A_223, %iota3A : vector<16xi32>
        %shift_right_logical3A_225 = arith.constant 20 : i32
        %shift_right_logical3A_226 = vector.broadcast %shift_right_logical3A_225 : i32 to vector<16xi32>
        %shift_right_logical3A_227 = arith.shrui %get3A_116, %shift_right_logical3A_226 : vector<16xi32>
        %and3A_228 = arith.constant 1023 : i32
        %and3A_229 = vector.broadcast %and3A_228 : i32 to vector<16xi32>
        %and3A_230 = arith.andi %shift_right_logical3A_227, %and3A_229 : vector<16xi32>
        %mul3A_231 = arith.constant 16 : i32
        %mul3A_232 = vector.broadcast %mul3A_231 : i32 to vector<16xi32>
        %mul3A_233 = arith.muli %and3A_230, %mul3A_232 : vector<16xi32>
        %add3A_234 = arith.addi %mul3A_233, %iota3A : vector<16xi32>
        %shift_right_logical3A_235 = arith.constant 20 : i32
        %shift_right_logical3A_236 = vector.broadcast %shift_right_logical3A_235 : i32 to vector<16xi32>
        %shift_right_logical3A_237 = arith.shrui %get3A_122, %shift_right_logical3A_236 : vector<16xi32>
        %and3A_238 = arith.constant 1023 : i32
        %and3A_239 = vector.broadcast %and3A_238 : i32 to vector<16xi32>
        %and3A_240 = arith.andi %shift_right_logical3A_237, %and3A_239 : vector<16xi32>
        %mul3A_241 = arith.constant 16 : i32
        %mul3A_242 = vector.broadcast %mul3A_241 : i32 to vector<16xi32>
        %mul3A_243 = arith.muli %and3A_240, %mul3A_242 : vector<16xi32>
        %add3A_244 = arith.addi %mul3A_243, %iota3A : vector<16xi32>
        %shift_right_logical3A_245 = arith.constant 20 : i32
        %shift_right_logical3A_246 = vector.broadcast %shift_right_logical3A_245 : i32 to vector<16xi32>
        %shift_right_logical3A_247 = arith.shrui %get3A_128, %shift_right_logical3A_246 : vector<16xi32>
        %and3A_248 = arith.constant 1023 : i32
        %and3A_249 = vector.broadcast %and3A_248 : i32 to vector<16xi32>
        %and3A_250 = arith.andi %shift_right_logical3A_247, %and3A_249 : vector<16xi32>
        %mul3A_251 = arith.constant 16 : i32
        %mul3A_252 = vector.broadcast %mul3A_251 : i32 to vector<16xi32>
        %mul3A_253 = arith.muli %and3A_250, %mul3A_252 : vector<16xi32>
        %add3A_254 = arith.addi %mul3A_253, %iota3A : vector<16xi32>
        %gather3A = tpu.vector_load_idx %arg8[%add3A_184] : memref<16384xi32, #tpu.memory_space<vmem>>[vector<16xi32>], vector<16xi32>,
        tpu.vector_store_idx %arg8[%add3A_184], %broadcast_in_dim3A_4 {add = true} : memref<16384xi32, #tpu.memory_space<vmem>>[vector<16xi32>], vector<16xi32>,
        %gather3A_255 = tpu.vector_load_idx %arg8[%add3A_194] : memref<16384xi32, #tpu.memory_space<vmem>>[vector<16xi32>], vector<16xi32>,
        tpu.vector_store_idx %arg8[%add3A_194], %broadcast_in_dim3A_4 {add = true} : memref<16384xi32, #tpu.memory_space<vmem>>[vector<16xi32>], vector<16xi32>,
        %gather3A_256 = tpu.vector_load_idx %arg8[%add3A_204] : memref<16384xi32, #tpu.memory_space<vmem>>[vector<16xi32>], vector<16xi32>,
        tpu.vector_store_idx %arg8[%add3A_204], %broadcast_in_dim3A_4 {add = true} : memref<16384xi32, #tpu.memory_space<vmem>>[vector<16xi32>], vector<16xi32>,
        %gather3A_257 = tpu.vector_load_idx %arg8[%add3A_214] : memref<16384xi32, #tpu.memory_space<vmem>>[vector<16xi32>], vector<16xi32>,
        tpu.vector_store_idx %arg8[%add3A_214], %broadcast_in_dim3A_4 {add = true} : memref<16384xi32, #tpu.memory_space<vmem>>[vector<16xi32>], vector<16xi32>,
        %gather3A_258 = tpu.vector_load_idx %arg8[%add3A_224] : memref<16384xi32, #tpu.memory_space<vmem>>[vector<16xi32>], vector<16xi32>,
        tpu.vector_store_idx %arg8[%add3A_224], %broadcast_in_dim3A_4 {add = true} : memref<16384xi32, #tpu.memory_space<vmem>>[vector<16xi32>], vector<16xi32>,
        %gather3A_259 = tpu.vector_load_idx %arg8[%add3A_234] : memref<16384xi32, #tpu.memory_space<vmem>>[vector<16xi32>], vector<16xi32>,
        tpu.vector_store_idx %arg8[%add3A_234], %broadcast_in_dim3A_4 {add = true} : memref<16384xi32, #tpu.memory_space<vmem>>[vector<16xi32>], vector<16xi32>,
        %gather3A_260 = tpu.vector_load_idx %arg8[%add3A_244] : memref<16384xi32, #tpu.memory_space<vmem>>[vector<16xi32>], vector<16xi32>,
        tpu.vector_store_idx %arg8[%add3A_244], %broadcast_in_dim3A_4 {add = true} : memref<16384xi32, #tpu.memory_space<vmem>>[vector<16xi32>], vector<16xi32>,
        %gather3A_261 = tpu.vector_load_idx %arg8[%add3A_254] : memref<16384xi32, #tpu.memory_space<vmem>>[vector<16xi32>], vector<16xi32>,
        tpu.vector_store_idx %arg8[%add3A_254], %broadcast_in_dim3A_4 {add = true} : memref<16384xi32, #tpu.memory_space<vmem>>[vector<16xi32>], vector<16xi32>,
        %add3A_262 = arith.addi %mul3A_3, %gather3A : vector<16xi32>
        tpu.vector_store_idx %arg6[%add3A_262], %get3A_134 : memref<16384xi32, #tpu.memory_space<vmem>>[vector<16xi32>], vector<16xi32>,
        %add3A_263 = arith.addi %mul3A_3, %gather3A_255 : vector<16xi32>
        tpu.vector_store_idx %arg6[%add3A_263], %get3A_140 : memref<16384xi32, #tpu.memory_space<vmem>>[vector<16xi32>], vector<16xi32>,
        %add3A_264 = arith.addi %mul3A_3, %gather3A_256 : vector<16xi32>
        tpu.vector_store_idx %arg6[%add3A_264], %get3A_146 : memref<16384xi32, #tpu.memory_space<vmem>>[vector<16xi32>], vector<16xi32>,
        %add3A_265 = arith.addi %mul3A_3, %gather3A_257 : vector<16xi32>
        tpu.vector_store_idx %arg6[%add3A_265], %get3A_152 : memref<16384xi32, #tpu.memory_space<vmem>>[vector<16xi32>], vector<16xi32>,
        %add3A_266 = arith.addi %mul3A_3, %gather3A_258 : vector<16xi32>
        tpu.vector_store_idx %arg6[%add3A_266], %get3A_158 : memref<16384xi32, #tpu.memory_space<vmem>>[vector<16xi32>], vector<16xi32>,
        %add3A_267 = arith.addi %mul3A_3, %gather3A_259 : vector<16xi32>
        tpu.vector_store_idx %arg6[%add3A_267], %get3A_164 : memref<16384xi32, #tpu.memory_space<vmem>>[vector<16xi32>], vector<16xi32>,
        %add3A_268 = arith.addi %mul3A_3, %gather3A_260 : vector<16xi32>
        tpu.vector_store_idx %arg6[%add3A_268], %get3A_170 : memref<16384xi32, #tpu.memory_space<vmem>>[vector<16xi32>], vector<16xi32>,
        %add3A_269 = arith.addi %mul3A_3, %gather3A_261 : vector<16xi32>
        tpu.vector_store_idx %arg6[%add3A_269], %get3A_176 : memref<16384xi32, #tpu.memory_space<vmem>>[vector<16xi32>], vector<16xi32>,
        %scan3A_270 = arith.constant 0 : i32
        scf.yield %scan3A_270 : i32
      }
      %scan3A_74 = arith.constant 125 : i32
      %mul3A_75 = arith.constant 1024 : i32
      %mul3A_76 = arith.muli %add3A_19, %mul3A_75 : i32
      "tpu.region"() ({
        %run_scoped3A = tpu.sem_alloc : memref<!tpu.dma_semaphore, #tpu.memory_space<semaphore_mem>>
        %dma_start3A = tpu.memref_slice %arg3[%mul3A_76] : memref<4194304xi32, #tpu.memory_space<hbm>> -> memref<16384xi32, #tpu.memory_space<hbm>>
        %dma_start3A_78 = tpu.memref_slice %arg3[%mul3A_76] : memref<4194304xi32, #tpu.memory_space<hbm>> -> memref<16384xi32, #tpu.memory_space<hbm>>
        tpu.enqueue_dma source(%arg6 : memref<16384xi32, #tpu.memory_space<vmem>>) target(%dma_start3A_78 : memref<16384xi32, #tpu.memory_space<hbm>>) target_semaphore(%run_scoped3A : memref<!tpu.dma_semaphore, #tpu.memory_space<semaphore_mem>>)
        %dma_wait3A = tpu.memref_slice %arg3[%mul3A_76] : memref<4194304xi32, #tpu.memory_space<hbm>> -> memref<16384xi32, #tpu.memory_space<hbm>>
        %dma_wait3A_79 = tpu.memref_slice %arg3[%mul3A_76] : memref<4194304xi32, #tpu.memory_space<hbm>> -> memref<16384xi32, #tpu.memory_space<hbm>>
        tpu.wait_dma2 semaphore(%run_scoped3A : memref<!tpu.dma_semaphore, #tpu.memory_space<semaphore_mem>>) src(%arg6 : memref<16384xi32, #tpu.memory_space<vmem>>) dst(%dma_wait3A_79 : memref<16384xi32, #tpu.memory_space<hbm>>)
        tpu.yield
      }) : () -> ()
      %scan3A_77 = arith.constant 0 : i32
      scf.yield %scan3A_77 : i32
    }
    %scan3A_12 = arith.constant 8 : i32
    return
  }
}

module attributes {stable_mosaic.version = 14 : i64} {
  func.func @_mlp_body(%arg0: i32, %arg1: memref<256x1024xf32, #tpu.memory_space<vmem>>, %arg2: memref<1024x2048xf32, #tpu.memory_space<vmem>>, %arg3: memref<2048xf32, #tpu.memory_space<vmem>>, %arg4: memref<2048x2048xf32, #tpu.memory_space<vmem>>, %arg5: memref<2048xf32, #tpu.memory_space<vmem>>, %arg6: memref<2048x1024xf32, #tpu.memory_space<vmem>>, %arg7: memref<1024xf32, #tpu.memory_space<vmem>>, %arg8: memref<1024x1024xf32, #tpu.memory_space<vmem>>, %arg9: memref<1024xf32, #tpu.memory_space<vmem>>, %arg10: memref<256x1024xf32, #tpu.memory_space<vmem>>, %arg11: memref<256x1024xf32, #tpu.memory_space<vmem>>, %arg12: memref<256x1000xf32, #tpu.memory_space<vmem>>, %arg13: memref<256x1000xf32, #tpu.memory_space<vmem>>, %arg14: memref<256xi32, #tpu.memory_space<vmem>>) attributes {dimension_semantics = [#tpu.dimension_semantics<arbitrary>], iteration_bounds = array<i64: 16>, scalar_prefetch = 0 : i64, scratch_operands = 0 : i64, tpu.core_type = #tpu.core_type<tc>, window_params = [{transform_indices = @transform_0, window_bounds = array<i64: 256, 1024>}, {pipeline_mode = #tpu.pipeline_mode<synchronous>, transform_indices = @transform_1, window_bounds = array<i64: 1024, 2048>}, {pipeline_mode = #tpu.pipeline_mode<synchronous>, transform_indices = @transform_2, window_bounds = array<i64: 2048>}, {pipeline_mode = #tpu.pipeline_mode<synchronous>, transform_indices = @transform_3, window_bounds = array<i64: 2048, 2048>}, {pipeline_mode = #tpu.pipeline_mode<synchronous>, transform_indices = @transform_4, window_bounds = array<i64: 2048>}, {pipeline_mode = #tpu.pipeline_mode<synchronous>, transform_indices = @transform_5, window_bounds = array<i64: 2048, 1024>}, {pipeline_mode = #tpu.pipeline_mode<synchronous>, transform_indices = @transform_6, window_bounds = array<i64: 1024>}, {pipeline_mode = #tpu.pipeline_mode<synchronous>, transform_indices = @transform_7, window_bounds = array<i64: 1024, 1024>}, {pipeline_mode = #tpu.pipeline_mode<synchronous>, transform_indices = @transform_8, window_bounds = array<i64: 1024>}, {transform_indices = @transform_9, window_bounds = array<i64: 256, 1024>}, {transform_indices = @transform_10, window_bounds = array<i64: 256, 1024>}, {transform_indices = @transform_11, window_bounds = array<i64: 256, 1000>}, {transform_indices = @transform_12, window_bounds = array<i64: 256, 1000>}, {transform_indices = @transform_13, window_bounds = array<i64: 256>}]} {
    %get3A = arith.constant 0 : index
    %get3A_0 = arith.constant 0 : index
    %get3A_1 = vector.load %arg1[%get3A, %get3A_0] : memref<256x1024xf32, #tpu.memory_space<vmem>>, vector<256x1024xf32>
    %get3A_2 = arith.constant 0 : index
    %get3A_3 = arith.constant 0 : index
    %get3A_4 = vector.load %arg2[%get3A_2, %get3A_3] : memref<1024x2048xf32, #tpu.memory_space<vmem>>, vector<1024x2048xf32>
    %dot_general3A = arith.constant dense<0.000000e+00> : vector<256x2048xf32>
    %dot_general3A_5 = tpu.matmul %get3A_1, %get3A_4, %dot_general3A {dimension_numbers = #tpu.dot_dimension_numbers<[1], [0], [0], [1], [0, 0, 1, 1], [], []>, transpose_lhs_hint = false} : vector<256x1024xf32>, vector<1024x2048xf32>, vector<256x2048xf32> -> vector<256x2048xf32>
    %get3A_6 = arith.constant 0 : index
    %get3A_7 = vector.load %arg3[%get3A_6] : memref<2048xf32, #tpu.memory_space<vmem>>, vector<2048xf32>
    %broadcast_in_dim3A = vector.shape_cast %get3A_7 : vector<2048xf32> to vector<1x2048xf32>
    %add3A = vector.broadcast %broadcast_in_dim3A : vector<1x2048xf32> to vector<256x2048xf32>
    %add3A_8 = arith.addf %dot_general3A_5, %add3A : vector<256x2048xf32>
    %max3A = arith.constant 0.000000e+00 : f32
    %max3A_9 = vector.broadcast %max3A : f32 to vector<256x2048xf32>
    %max3A_10 = arith.maximumf %add3A_8, %max3A_9 : vector<256x2048xf32>
    %get3A_11 = arith.constant 0 : index
    %get3A_12 = arith.constant 0 : index
    %get3A_13 = vector.load %arg4[%get3A_11, %get3A_12] : memref<2048x2048xf32, #tpu.memory_space<vmem>>, vector<2048x2048xf32>
    %dot_general3A_14 = arith.constant dense<0.000000e+00> : vector<256x2048xf32>
    %dot_general3A_15 = tpu.matmul %max3A_10, %get3A_13, %dot_general3A_14 {dimension_numbers = #tpu.dot_dimension_numbers<[1], [0], [0], [1], [0, 0, 1, 1], [], []>, transpose_lhs_hint = false} : vector<256x2048xf32>, vector<2048x2048xf32>, vector<256x2048xf32> -> vector<256x2048xf32>
    %get3A_16 = arith.constant 0 : index
    %get3A_17 = vector.load %arg5[%get3A_16] : memref<2048xf32, #tpu.memory_space<vmem>>, vector<2048xf32>
    %broadcast_in_dim3A_18 = vector.shape_cast %get3A_17 : vector<2048xf32> to vector<1x2048xf32>
    %add3A_19 = vector.broadcast %broadcast_in_dim3A_18 : vector<1x2048xf32> to vector<256x2048xf32>
    %add3A_20 = arith.addf %dot_general3A_15, %add3A_19 : vector<256x2048xf32>
    %max3A_21 = arith.constant 0.000000e+00 : f32
    %max3A_22 = vector.broadcast %max3A_21 : f32 to vector<256x2048xf32>
    %max3A_23 = arith.maximumf %add3A_20, %max3A_22 : vector<256x2048xf32>
    %get3A_24 = arith.constant 0 : index
    %get3A_25 = arith.constant 0 : index
    %get3A_26 = vector.load %arg6[%get3A_24, %get3A_25] : memref<2048x1024xf32, #tpu.memory_space<vmem>>, vector<2048x1024xf32>
    %dot_general3A_27 = arith.constant dense<0.000000e+00> : vector<256x1024xf32>
    %dot_general3A_28 = tpu.matmul %max3A_23, %get3A_26, %dot_general3A_27 {dimension_numbers = #tpu.dot_dimension_numbers<[1], [0], [0], [1], [0, 0, 1, 1], [], []>, transpose_lhs_hint = false} : vector<256x2048xf32>, vector<2048x1024xf32>, vector<256x1024xf32> -> vector<256x1024xf32>
    %get3A_29 = arith.constant 0 : index
    %get3A_30 = vector.load %arg7[%get3A_29] : memref<1024xf32, #tpu.memory_space<vmem>>, vector<1024xf32>
    %broadcast_in_dim3A_31 = vector.shape_cast %get3A_30 : vector<1024xf32> to vector<1x1024xf32>
    %add3A_32 = vector.broadcast %broadcast_in_dim3A_31 : vector<1x1024xf32> to vector<256x1024xf32>
    %add3A_33 = arith.addf %dot_general3A_28, %add3A_32 : vector<256x1024xf32>
    %max3A_34 = arith.constant 0.000000e+00 : f32
    %max3A_35 = vector.broadcast %max3A_34 : f32 to vector<256x1024xf32>
    %max3A_36 = arith.maximumf %add3A_33, %max3A_35 : vector<256x1024xf32>
    %get3A_37 = arith.constant 0 : index
    %get3A_38 = arith.constant 0 : index
    %get3A_39 = vector.load %arg8[%get3A_37, %get3A_38] : memref<1024x1024xf32, #tpu.memory_space<vmem>>, vector<1024x1024xf32>
    %dot_general3A_40 = arith.constant dense<0.000000e+00> : vector<256x1024xf32>
    %dot_general3A_41 = tpu.matmul %max3A_36, %get3A_39, %dot_general3A_40 {dimension_numbers = #tpu.dot_dimension_numbers<[1], [0], [0], [1], [0, 0, 1, 1], [], []>, transpose_lhs_hint = false} : vector<256x1024xf32>, vector<1024x1024xf32>, vector<256x1024xf32> -> vector<256x1024xf32>
    %get3A_42 = arith.constant 0 : index
    %get3A_43 = vector.load %arg9[%get3A_42] : memref<1024xf32, #tpu.memory_space<vmem>>, vector<1024xf32>
    %broadcast_in_dim3A_44 = vector.shape_cast %get3A_43 : vector<1024xf32> to vector<1x1024xf32>
    %add3A_45 = vector.broadcast %broadcast_in_dim3A_44 : vector<1x1024xf32> to vector<256x1024xf32>
    %add3A_46 = arith.addf %dot_general3A_41, %add3A_45 : vector<256x1024xf32>
    %reduce_max3A = arith.constant dense<0xFF800000> : vector<256xf32>
    %reduce_max3A_47 = vector.multi_reduction <maximumf>, %add3A_46, %reduce_max3A [1] : vector<256x1024xf32> to vector<256xf32>
    %broadcast_in_dim3A_48 = vector.shape_cast %reduce_max3A_47 : vector<256xf32> to vector<256x1xf32>
    %sub3A = vector.broadcast %broadcast_in_dim3A_48 : vector<256x1xf32> to vector<256x1024xf32>
    %sub3A_49 = arith.subf %add3A_46, %sub3A : vector<256x1024xf32>
    %exp3A = math.exp %sub3A_49 : vector<256x1024xf32>
    %reduce_sum3A = arith.constant dense<0.000000e+00> : vector<256xf32>
    %reduce_sum3A_50 = vector.multi_reduction <add>, %exp3A, %reduce_sum3A [1] : vector<256x1024xf32> to vector<256xf32>
    %broadcast_in_dim3A_51 = vector.shape_cast %reduce_sum3A_50 : vector<256xf32> to vector<256x1xf32>
    %div3A = vector.broadcast %broadcast_in_dim3A_51 : vector<256x1xf32> to vector<256x1024xf32>
    %div3A_52 = arith.divf %exp3A, %div3A : vector<256x1024xf32>
    %swap3A = arith.constant 0 : index
    %swap3A_53 = arith.constant 0 : index
    %swap3A_54 = vector.load %arg11[%swap3A, %swap3A_53] : memref<256x1024xf32, #tpu.memory_space<vmem>>, vector<256x1024xf32>
    tpu.vector_store %arg11[%swap3A, %swap3A_53], %div3A_52 {strides = array<i32>} : memref<256x1024xf32, #tpu.memory_space<vmem>>, vector<256x1024xf32>,
    %slice3A = vector.extract_strided_slice %div3A_52 {offsets = [0, 0], sizes = [256, 1000], strides = [1, 1]} : vector<256x1024xf32> to vector<256x1000xf32>
    %swap3A_55 = arith.constant 0 : index
    %swap3A_56 = arith.constant 0 : index
    %swap3A_57 = vector.load %arg12[%swap3A_55, %swap3A_56] : memref<256x1000xf32, #tpu.memory_space<vmem>>, vector<256x1000xf32>
    tpu.vector_store %arg12[%swap3A_55, %swap3A_56], %slice3A {strides = array<i32>} : memref<256x1000xf32, #tpu.memory_space<vmem>>, vector<256x1000xf32>,
    %slice3A_58 = vector.extract_strided_slice %div3A_52 {offsets = [0, 0], sizes = [256, 1000], strides = [1, 1]} : vector<256x1024xf32> to vector<256x1000xf32>
    %slice3A_59 = vector.extract_strided_slice %div3A_52 {offsets = [0, 0], sizes = [256, 1000], strides = [1, 1]} : vector<256x1024xf32> to vector<256x1000xf32>
    %eq3A = arith.constant 0.000000e+00 : f32
    %eq3A_60 = vector.broadcast %eq3A : f32 to vector<256x1000xf32>
    %eq3A_61 = arith.cmpf oeq, %slice3A_59, %eq3A_60 : vector<256x1000xf32>
    %convert_element_type3A = arith.extui %eq3A_61 : vector<256x1000xi1> to vector<256x1000xi32>
    %convert_element_type3A_62 = arith.sitofp %convert_element_type3A : vector<256x1000xi32> to vector<256x1000xf32>
    %mul3A = arith.constant 9.99999993E-9 : f32
    %mul3A_63 = vector.broadcast %mul3A : f32 to vector<256x1000xf32>
    %mul3A_64 = arith.mulf %convert_element_type3A_62, %mul3A_63 : vector<256x1000xf32>
    %add3A_65 = arith.addf %slice3A_58, %mul3A_64 : vector<256x1000xf32>
    %log3A = math.log %add3A_65 : vector<256x1000xf32>
    %swap3A_66 = arith.constant 0 : index
    %swap3A_67 = arith.constant 0 : index
    %swap3A_68 = vector.load %arg13[%swap3A_66, %swap3A_67] : memref<256x1000xf32, #tpu.memory_space<vmem>>, vector<256x1000xf32>
    tpu.vector_store %arg13[%swap3A_66, %swap3A_67], %log3A {strides = array<i32>} : memref<256x1000xf32, #tpu.memory_space<vmem>>, vector<256x1000xf32>,
    %add3A_69 = arith.constant 1.000000e-30 : f32
    %add3A_70 = vector.broadcast %add3A_69 : f32 to vector<256x1024xf32>
    %add3A_71 = arith.addf %div3A_52, %add3A_70 : vector<256x1024xf32>
    %log3A_72 = math.log %add3A_71 : vector<256x1024xf32>
    %get3A_73 = arith.constant 0 : index
    %get3A_74 = arith.constant 0 : index
    %get3A_75 = vector.load %arg10[%get3A_73, %get3A_74] : memref<256x1024xf32, #tpu.memory_space<vmem>>, vector<256x1024xf32>
    %add3A_76 = arith.addf %log3A_72, %get3A_75 : vector<256x1024xf32>
    %reduce_max3A_77 = arith.constant dense<0xFF800000> : vector<256xf32>
    %reduce_max3A_78 = vector.multi_reduction <maximumf>, %add3A_76, %reduce_max3A_77 [1] : vector<256x1024xf32> to vector<256xf32>
    %broadcast_in_dim3A_79 = vector.shape_cast %reduce_max3A_78 : vector<256xf32> to vector<256x1xf32>
    %iota3A = tpu.iota {dimensions = array<i32: 1>} : vector<256x1024xi32>
    %eq3A_80 = vector.broadcast %broadcast_in_dim3A_79 : vector<256x1xf32> to vector<256x1024xf32>
    %eq3A_81 = arith.cmpf oeq, %add3A_76, %eq3A_80 : vector<256x1024xf32>
    %jit3A = arith.constant 1024 : i32
    %broadcast_in_dim3A_82 = vector.broadcast %jit3A : i32 to vector<256x1024xi32>
    %select_n3A = arith.select %eq3A_81, %iota3A, %broadcast_in_dim3A_82 : vector<256x1024xi1>, vector<256x1024xi32>
    %reduce_min3A = arith.constant dense<2147483647> : vector<256xi32>
    %reduce_min3A_83 = vector.multi_reduction <minsi>, %select_n3A, %reduce_min3A [1] : vector<256x1024xi32> to vector<256xi32>
    %swap3A_84 = arith.constant 0 : index
    %swap3A_85 = vector.load %arg14[%swap3A_84] : memref<256xi32, #tpu.memory_space<vmem>>, vector<256xi32>
    tpu.vector_store %arg14[%swap3A_84], %reduce_min3A_83 {strides = array<i32>} : memref<256xi32, #tpu.memory_space<vmem>>, vector<256xi32>,
    return
  }
  func.func @transform_0(%arg0: i32) -> (i32, i32) {
    %c0_i32 = arith.constant 0 : i32
    %c0_i32_0 = arith.constant 0 : i32
    return %arg0, %c0_i32 : i32, i32
  }
  func.func @transform_1(%arg0: i32) -> (i32, i32) {
    %c0_i32 = arith.constant 0 : i32
    %c0_i32_0 = arith.constant 0 : i32
    %c0_i32_1 = arith.constant 0 : i32
    return %c0_i32, %c0_i32_0 : i32, i32
  }
  func.func @transform_2(%arg0: i32) -> i32 {
    %c0_i32 = arith.constant 0 : i32
    %c0_i32_0 = arith.constant 0 : i32
    return %c0_i32 : i32
  }
  func.func @transform_3(%arg0: i32) -> (i32, i32) {
    %c0_i32 = arith.constant 0 : i32
    %c0_i32_0 = arith.constant 0 : i32
    %c0_i32_1 = arith.constant 0 : i32
    return %c0_i32, %c0_i32_0 : i32, i32
  }
  func.func @transform_4(%arg0: i32) -> i32 {
    %c0_i32 = arith.constant 0 : i32
    %c0_i32_0 = arith.constant 0 : i32
    return %c0_i32 : i32
  }
  func.func @transform_5(%arg0: i32) -> (i32, i32) {
    %c0_i32 = arith.constant 0 : i32
    %c0_i32_0 = arith.constant 0 : i32
    %c0_i32_1 = arith.constant 0 : i32
    return %c0_i32, %c0_i32_0 : i32, i32
  }
  func.func @transform_6(%arg0: i32) -> i32 {
    %c0_i32 = arith.constant 0 : i32
    %c0_i32_0 = arith.constant 0 : i32
    return %c0_i32 : i32
  }
  func.func @transform_7(%arg0: i32) -> (i32, i32) {
    %c0_i32 = arith.constant 0 : i32
    %c0_i32_0 = arith.constant 0 : i32
    %c0_i32_1 = arith.constant 0 : i32
    return %c0_i32, %c0_i32_0 : i32, i32
  }
  func.func @transform_8(%arg0: i32) -> i32 {
    %c0_i32 = arith.constant 0 : i32
    %c0_i32_0 = arith.constant 0 : i32
    return %c0_i32 : i32
  }
  func.func @transform_9(%arg0: i32) -> (i32, i32) {
    %c0_i32 = arith.constant 0 : i32
    %c0_i32_0 = arith.constant 0 : i32
    return %arg0, %c0_i32 : i32, i32
  }
  func.func @transform_10(%arg0: i32) -> (i32, i32) {
    %c0_i32 = arith.constant 0 : i32
    %c0_i32_0 = arith.constant 0 : i32
    return %arg0, %c0_i32 : i32, i32
  }
  func.func @transform_11(%arg0: i32) -> (i32, i32) {
    %c0_i32 = arith.constant 0 : i32
    %c0_i32_0 = arith.constant 0 : i32
    return %arg0, %c0_i32 : i32, i32
  }
  func.func @transform_12(%arg0: i32) -> (i32, i32) {
    %c0_i32 = arith.constant 0 : i32
    %c0_i32_0 = arith.constant 0 : i32
    return %arg0, %c0_i32 : i32, i32
  }
  func.func @transform_13(%arg0: i32) -> i32 {
    %c0_i32 = arith.constant 0 : i32
    return %arg0 : i32
  }
}

</mosaic_0001>

<sc_bundles>
// kernel: _run.4.cloned.1.call-start
scs
__scs_entry_jumppad:
0x0: {  	(pc) =	sbr.rel $0x88, $3  }
0x1: {  	(tag) =	ssettag $0x0;
	lr =	simm.s32 $0x1  }
0x2: {  	[smem:$0x3F97] =	sst lr;
	_ =	strace $0xD0000000  }
0x3: {  	_ = 	snop  }
0x4: {  	_ = 	snop  }
0x5: {  	_ = 	snop  }
0x6: {  	_ = 	snop  }
0x7: {  	_ = 	snop  }
__scs_overlays_trampoline_lowered:
0x8: {  	[smem:$0x3FA6] =	sst s0  }
0x9: {  	[smem:$0x3FA7] =	sst s1  }
0xa: {  	[smem:$0x3FA8] =	sst s2  }
0xb: {  	[smem:$0x3FA9] =	sst s3  }
0xc: {  	[smem:$0x3FAA] =	sst s4  }
0xd: {  	[smem:$0x3FAB] =	sst s5  }
0xe: {  	[smem:$0x3FAC] =	sst s6  }
0xf: {  	[smem:$0x3FAD] =	sst s7  }
0x10: {  	[smem:$0x3FAE] =	sst s8  }
0x11: {  	[smem:$0x3FAF] =	sst s9;
	s0 =	simm.s32 @!p0 $0x0  }
0x12: {  	s1 =	sld [smem:$0x3F95];
	s0 =	simm.s32 @p0 $0x1  }
0x13: {  	[smem:$0x3FB0] =	sst s0;
	s0 =	simm.s32 @!p1 $0x0  }
0x14: {  	s2 =	sld [smem:$0x3F94];
	s0 =	simm.s32 @p1 $0x1  }
0x15: {  	[smem:$0x3FB1] =	sst s0;
	s0 =	simm.s32 @!p2 $0x0  }
0x16: {  	s3 =	sld [smem:$0x3FDB];
	s0 =	simm.s32 @p2 $0x1  }
0x17: {  	s4 =	simm.s32 $0x1BF5;
	[smem:$0x3FB3] =	sst s0  }
0x18: {  	s0 =	sld [smem:$0x3F96];
	_ =	swait.ge [sflag:s4], $0x0  }
0x19: {  	s7 =	sld [smem:$0x3F97]  }
0x1a: {  	s8 =	sadd.s32 $0xFFFFE003, lr  }
0x1b: {  	s9 =	sadd.s32 $0xFFFFFEF7, lr;
	s5 =	simm.s32 $0xFFFFFFFF;
	p2 =	slt.u32 s8, $0xFFFFF086  }
0x1c: {  	p1 =	slt.u32 s9, $0xF7A;
	s5 =	simm.s32 @!p2 $0x0  }
0x1d: {  	s5 =	simm.s32 @p1 $0x1;
	p0 =	seq.s32 s7, s2  }
0x1e: {  	s7 =	smul.u32 @!p0 $0xF7A, s2;
	p2 =	seq.s32 @!p0 s5, $0x0  }
0x1f: {  	s9 =	smul.u32 $0xF7A, s1;
	s8 =	simm.s32 @!p0 $0x1BF5;
	p2 =	por !p2, p0  }
0x20: {  	[sflag:s8] =	ssyncset.s32 @!p0 $0xFFFFF086;
	s6 =	sadd.s32 @!p0 s3, s7;
	s7 =	simm.s32 @!p0 $0x108  }
0x21: {  	s3 =	sadd.s32 s3, s9;
	s6 =	sadd.s32 @!p0 $0x88, s6;
	s7 =	simm.s32 @p2 $0x1082  }
0x22: {  	[simem:s7], [sflag:s8] =	dma.local @!p0 [hbm:s6], $0xF7A  }
0x23: {  	s9 =	sor.u32 $0xD0000000, s2;
	s6 =	simm.s32 $0x108;
	_ =	swait.ge @!p0 [sflag:s8], $0x0  }
0x24: {  	s3 =	sadd.s32 $0x88, s3;
	s6 =	simm.s32 @!p1 $0x1082;
	[sflag:s4] =	ssyncset.s32 $0xFFFFF086  }
0x25: {  	[simem:s6], [sflag:s4] =	dma.local [hbm:s3], $0xF7A  }
0x26: {  	[smem:$0x3F97] =	sst s1;
	(tag) =	ssettag s2;
	_ =	strace s9  }
0x27: {  	s1 =	sld [smem:$0x3FA7]  }
0x28: {  	s2 =	sld [smem:$0x3FA8]  }
0x29: {  	s4 =	sld [smem:$0x3FAA]  }
0x2a: {  	p0 =	seq.s32 s5, $0x0;
	s5 =	sld [smem:$0x3FAB]  }
0x2b: {  	s6 =	sld [smem:$0x3FAC]  }
0x2c: {  	s7 =	sld [smem:$0x3FAD]  }
0x2d: {  	s3 =	simm.s32 $0x108;
	s8 =	sld [smem:$0x3FAE]  }
0x2e: {  	s3 =	simm.s32 @!p0 $0x1082;
	s9 =	sld [smem:$0x3FAF]  }
0x2f: {  	lr =	sadd.s32 s0, s3;
	s0 =	sld [smem:$0x3FA6]  }
0x30: {  	s3 =	sld [smem:$0x3FA9]  }
0x31: {  	[smem:$0x3FB2] =	sst s10  }
0x32: {  	s10 =	sld [smem:$0x3FB0];
	_ =	sdelay $0x3  }
0x33: {  	p0 =	seq.s32 s10, $0x1;
	s10 =	sld [smem:$0x3FB2];
	_ =	sdelay $0x3  }
0x34: {  	[smem:$0x3FB2] =	sst s10  }
0x35: {  	s10 =	sld [smem:$0x3FB1];
	_ =	sdelay $0x3  }
0x36: {  	p1 =	seq.s32 s10, $0x1;
	s10 =	sld [smem:$0x3FB2];
	_ =	sdelay $0x3  }
0x37: {  	[smem:$0x3FB2] =	sst s10  }
0x38: {  	s10 =	sld [smem:$0x3FB3]  }
0x39: {  	_ = 	snop;
	(pc) =	sbr.ind lr, $3  }
0x3a: {  	_ = 	snop  }
0x3b: {  	_ = 	snop  }
0x3c: {  	p2 =	seq.s32 s10, $0x1;
	s10 =	sld [smem:$0x3FB2]  }
0x3d: {  	_ =	shalt  }
0x3e: {  	_ =	shalt  }
0x3f: {  	_ =	shalt  }
0x40: {  	_ =	shalt  }
0x41: {  	_ =	shalt  }
0x42: {  	_ =	shalt  }
0x43: {  	_ =	shalt  }
0x44: {  	_ =	shalt  }
0x45: {  	_ =	shalt  }
0x46: {  	_ =	shalt  }
0x47: {  	_ =	shalt  }
0x48: {  	_ =	shalt  }
0x49: {  	_ =	shalt  }
0x4a: {  	_ =	shalt  }
0x4b: {  	_ =	shalt  }
0x4c: {  	_ =	shalt  }
0x4d: {  	_ =	shalt  }
0x4e: {  	_ =	shalt  }
0x4f: {  	_ =	shalt  }
0x50: {  	_ =	shalt  }
0x51: {  	_ =	shalt  }
0x52: {  	_ =	shalt  }
0x53: {  	_ =	shalt  }
0x54: {  	_ =	shalt  }
0x55: {  	_ =	shalt  }
0x56: {  	_ =	shalt  }
0x57: {  	_ =	shalt  }
0x58: {  	_ =	shalt  }
0x59: {  	_ =	shalt  }
0x5a: {  	_ =	shalt  }
0x5b: {  	_ =	shalt  }
0x5c: {  	_ =	shalt  }
0x5d: {  	_ =	shalt  }
0x5e: {  	_ =	shalt  }
0x5f: {  	_ =	shalt  }
0x60: {  	_ =	shalt  }
0x61: {  	_ =	shalt  }
0x62: {  	_ =	shalt  }
0x63: {  	_ =	shalt  }
0x64: {  	_ =	shalt  }
0x65: {  	_ =	shalt  }
0x66: {  	_ =	shalt  }
0x67: {  	_ =	shalt  }
0x68: {  	_ =	shalt  }
0x69: {  	_ =	shalt  }
0x6a: {  	_ =	shalt  }
0x6b: {  	_ =	shalt  }
0x6c: {  	_ =	shalt  }
0x6d: {  	_ =	shalt  }
0x6e: {  	_ =	shalt  }
0x6f: {  	_ =	shalt  }
0x70: {  	_ =	shalt  }
0x71: {  	_ =	shalt  }
0x72: {  	_ =	shalt  }
0x73: {  	_ =	shalt  }
0x74: {  	_ =	shalt  }
0x75: {  	_ =	shalt  }
0x76: {  	_ =	shalt  }
0x77: {  	_ =	shalt  }
0x78: {  	_ =	shalt  }
0x79: {  	_ =	shalt  }
0x7a: {  	_ =	shalt  }
0x7b: {  	_ =	shalt  }
0x7c: {  	_ =	shalt  }
0x7d: {  	_ =	shalt  }
0x7e: {  	_ =	shalt  }
0x7f: {  	_ =	shalt  }
0x80: {  	_ =	shalt  }
0x81: {  	_ =	shalt  }
0x82: {  	_ =	shalt  }
0x83: {  	_ =	shalt  }
0x84: {  	_ =	shalt  }
0x85: {  	_ =	shalt  }
0x86: {  	_ =	shalt  }
0x87: {  	_ =	shalt  }
.Lfunc_end0:
.L_simem_size_0:
called_computation_lowered:
.L_overlay_start_0:
0x88: {  	s2 =	sld [smem:$0x3FD9]  }
0x89: {  	s3 =	sld [smem:$0x3FFE];
	_ =	sdelay $0x1  }
0x8a: {  	s1 =	srdreg.scid  }
0x8b: {  	s0 =	sand.u32 $0x1, s1  }
0x8c: {  	s14 =	sshll.u32 s0, $0xA;
	s2 =	sadd.s32 s3, s2  }
0x8d: {  	s2 =	sadd.s32 s2, s14  }
0x8e: {  	[smem:$0x3FBE] =	sst s2  }
0x8f: {  	_ = 	snop  }
0x90: {  	s2 =	sld [smem:$0x3FD0];
	_ =	sdelay $0x2  }
0x91: {  	s15 =	simm.s32 $0xA;
	s4 =	simm.s32 $0x10  }
0x92: {  	[smem:s4], [sflag:s15] =	dma.local [hbm:s2], $0x1  }
0x93: {  	_ =	swait.eq [sflag:s15], $0x1  }
0x94: {  	[sflag:s15] =	ssyncset.done $0x0  }
0x95: {  	[sflag:s15] =	ssyncadd.s32 $0xFFFFFFFF  }
0x96: {  	s16 =	sld [smem:$0x13];
	(tm) =	ssettm $0x1  }
0x97: {  	s17 =	sld [smem:$0x3FFB];
	_ =	sdelay $0x3  }
0x98: {  	_ =	strace s17  }
0x99: {  	s3 =	sld [smem:$0x3FFC];
	_ =	sdelay $0x3  }
0x9a: {  	_ =	strace s3  }
0x9b: {  	s3 =	sld [smem:$0x3FFD];
	_ =	sdelay $0x3  }
0x9c: {  	_ =	strace s3  }
0x9d: {  	_ =	strace $0x8FFFFFFF  }
0x9e: {  	s18 =	sld [smem:$0x3FDB];
	_ =	sdelay $0x1  }
0x9f: {  	s19 =	simm.s32 $_scs_section_size  }
0xa0: {  	s5 =	simm.s32 $_size__tile_overlayer_lowered;
	s6 =	simm.s32 $_tile_overlayer_lowered  }
0xa1: {  	s22 =	simm.s32 $0x1BFF;
	s21 =	sshll.u32 s6, $0x1;
	s3 =	sadd.s32 s19, s18  }
0xa2: {  	s7 =	simm.s32 $0x0;
	s20 =	sshll.u32 s5, $0x1;
	s5 =	sadd.s32 s21, s3  }
0xa3: {  	[timem:s7], [sflag:s22] =	dma.local [hbm:s5], s20  }
0xa4: {  	_ =	swait.ge [sflag:s22], s20  }
0xa5: {  	s4 =	ssub.s32 $0x0, s20;
	[sflag:s22] =	ssyncset.done $0x0  }
0xa6: {  	[sflag:s22] =	ssyncadd.s32 s4;
	_ =	sdelay $0x1  }
0xa7: {  	s23 =	simm.s32 $0x1B8B  }
0xa8: {  	_ =	swait.ge [sflag:s23], $0x1  }
0xa9: {  	[sflag:s23] =	ssyncset.done $0x0  }
0xaa: {  	s25 =	simm.s32 $0x1B8E;
	s24 =	sld [smem:$0x3FFE];
	[sflag:s23] =	ssyncadd.s32 $0xFFFFFFFF  }
0xab: {  	s26 =	simm.s32 $execute0_lowered;
	[smem:$0x3FD2] =	sst s25  }
0xac: {  	s5 =	sshll.u32 s26, $0x1;
	_ =	strace $0x80000046;
	[dreg:$0x1] =	wrdreg $0xFFFFFFFF  }
0xad: {  	s28 =	simm.s32 $_size_execute0_lowered;
	s3 =	sadd.s32 s3, s5;
	[dreg:$0x0] =	wrdreg $0x0  }
0xae: {  	s5 =	sshll.u32 s28, $0x1;
	[dreg:$0x2] =	wrdreg s3  }
0xaf: {  	[dreg:$0x3] =	wrdreg s5  }
0xb0: {  	[dreg:$0x4] =	wrdreg $0xC0  }
0xb1: {  	_ =	task [dreg:s7], $0x5FFFF  }
0xb2: {  	[dreg:$0x1] =	wrdreg $0xFFFFFFFF  }
0xb3: {  	[dreg:$0x0] =	wrdreg $0x60  }
0xb4: {  	[dreg:$0x2] =	wrdreg s16  }
0xb5: {  	[dreg:$0x3] =	wrdreg s24  }
0xb6: {  	[dreg:$0x4] =	wrdreg $0x9  }
0xb7: {  	_ =	task.clear_ibuf [dreg:s7], $0x5FFFF;
	_ =	strace $0x90000046  }
0xb8: {  	s29 =	simm.s32 $0x9;
	_ =	strace $0x80000048  }
0xb9: {  	_ =	swait.ge [sflag:s29], $0x1  }
0xba: {  	[sflag:s29] =	ssyncadd.s32 $0xFFFFFFFF  }
0xbb: {  	_ =	strace $0x90000048  }
0xbc: {  	_ =	sfence  }
0xbd: {  	s30 =	sld [smem:$0x0];
	_ =	sdelay $0x2  }
0xbe: {  	s31 =	sshll.u32 s1, $0xD;
	s1 =	sshrl.u32 s1, $0x2  }
0xbf: {  	s3 =	sand.u32 $0x4000, s31;
	s1 =	sadd.s32 s1, s30  }
0xc0: {  	s0 =	sor.u32 s3, s0;
	s1 =	sshll.u32 s1, $0x11  }
0xc1: {  	s0 =	sor.u32 s1, s0  }
0xc2: {  	s0 =	sadd.s32 $0x8F2B, s0  }
0xc3: {  	[sflag:s0] =	ssyncadd.remote.s32 $0x1  }
0xc4: {  	_ =	sfence.sel $0xFFFF  }
0xc5: {  	[dreg:$0x0] =	wrdreg $0xFFFFFFFF;
	(pc) =	sbr.abs _section_cstart, $3  }
0xc6: {  	[dreg:$0x1] =	wrdreg $0xFFFFFFFF  }
0xc7: {  	_ =	task.clear_ibuf [dreg:s7], $0x2FFFF;
	_ =	strace $0x9FFFFFFF  }
0xc8: {  	(tm) =	ssettm $0x7FFFFFFF  }
0xc9: {  	_ =	shalt  }
tec
execute0_lowered:
.L_overlay_start_1:
0x0: {  	(tag) =	ssettag $0x1  }
0x1: {  	s1 =	rddreg [dreg:$0x0]  }
0x2: {  	s3 =	rddreg [dreg:$0x1]  }
0x3: {  	s0 =	rddreg [dreg:$0x2]  }
0x4: {  	s2 =	simm.s32 $0x0;
	s4 =	srdreg.scid;
	s8 =	simm.s32 $0x10000  }
0x5: {  	s9 =	simm.s32 $0x8000;
	s10 =	simm.s32 $0xC000;
	s11 =	simm.s32 $0x14000  }
0x6: {  	s12 =	simm.s32 $0x4000;
	s13 =	simm.s32 $0x0;
	s5 =	sand.u32 $0x1, s4  }
0x7: {  	[smem:$0x7FF] =	sst s2;
	s4 =	sadd.s32 $0x102400, s3;
	s6 =	ssub.s32 $0x2, s5  }
0x8: {  	v0 =	vlaneseq.u32;
	s3 =	stileid.u32;
	_ =	strace $0x80000047;
	s7 =	sshrl.u32 s6, $0x1  }
0x9: {  	v2 =	vmul.u32 $0x400, v0;
	s31 =	sshll.u32 s3, $0xF;
	s5 =	sshll.u32 s5, $0xE;
	s6 =	ssub.s32 s6, s7  }
0xa: {  	v1 =	vimm.s32 $0x0;
	v3 =	vimm.s32 $0x1;
	s5 =	sor.u32 s5, s31;
	s7 =	simm.s32 $0x1;
	s6 =	smax.u32 s6, $0x1  }
.LBB2_1:
0xb: {  	s14 =	simm.s32 $0x0  }
.LBB2_2:
0xc: {  	s15 =	sshll.u32 s14, $0xB  }
0xd: {  	s15 =	sadd.s32 s5, s15  }
0xe: {  	s17 =	simm.s32 $0x0;
	s16 =	sadd.s32 s1, s15  }
0xf: {  	[tilespmem:s17], [sflag:$0x1] =	stream.linear.gather [hbm4b:s16+s17], $0x4000, $0x38;
	[tilespmem:$0x18000] =	vst v63  }
0x10: {  	_ =	swait.ge [sflag:s7], $0x4000  }
0x11: {  	[sflag:s7] =	ssyncset.done $0x0  }
0x12: {  	s16 =	simm.s32 $0x0;
	s17 =	simm.s32 $0x200;
	[sflag:s7] =	ssyncadd.s32 $0xFFFFC000  }
.LBB2_3:
0x13: {  	p0 =	sne.s32 s17, $0xFE00;
	[tilespmem:s16+$0x10070] =	vst v1  }
0x14: {  	[tilespmem:s16+$0x10000] =	vst v1  }
0x15: {  	[tilespmem:s16+$0x10010] =	vst v1  }
.Ltmp0:
0x16: {  	[tilespmem:s16+$0x10020] =	vst v1;
	(pc) =	sbr.rel @p0 .LBB2_3-.Ltmp0, $4  }
0x17: {  	[tilespmem:s16+$0x10030] =	vst v1  }
0x18: {  	[tilespmem:s16+$0x10040] =	vst v1  }
0x19: {  	[tilespmem:s16+$0x10050] =	vst v1  }
0x1a: {  	[tilespmem:s16+$0x10060] =	vst v1;
	s16 =	sshra.s32 s17, $0x2;
	s17 =	sadd.s32 $0x200, s17  }
0x1b: {  	[tilespmem:s16+$0x10070] =	vst v1  }
0x1c: {  	[tilespmem:s16+$0x10000] =	vst v1  }
0x1d: {  	[tilespmem:s16+$0x10010] =	vst v1;
	s17 =	simm.s32 $0x1  }
0x1e: {  	[tilespmem:s16+$0x10020] =	vst v1;
	s18 =	simm.s32 $0x0;
	v4 =	vor.u32 s17, v2  }
0x1f: {  	[tilespmem:s16+$0x10030] =	vst v1;
	s25 =	simm.s32 $0x7;
	v5 =	vor.u32 s18, v2  }
0x20: {  	[tilespmem:s16+$0x10040] =	vst v1;
	s26 =	simm.s32 $0x2;
	v6 =	vor.u32 s25, v2  }
0x21: {  	[tilespmem:s16+$0x10050] =	vst v1;
	s28 =	simm.s32 $0x3;
	v7 =	vor.u32 s26, v2  }
0x22: {  	[tilespmem:s16+$0x10060] =	vst v1;
	s29 =	simm.s32 $0x4;
	s17 =	simm.s32 $0x0;
	v8 =	vor.u32 s28, v2  }
0x23: {  	v9 =	vor.u32 s29, v2;
	v4 =	vld.idx.msk [tilespmem:v4+s17+$0x0], $0xffff  }
0x24: {  	s30 =	simm.s32 $0x5;
	v5 =	vld.idx.msk [tilespmem:v5+s17+$0x0], $0xffff  }
0x25: {  	s31 =	simm.s32 $0x6;
	v10 =	vor.u32 s30, v2;
	v6 =	vld.idx.msk [tilespmem:v6+s17+$0x0], $0xffff  }
0x26: {  	v11 =	vor.u32 s31, v2;
	v7 =	vld.idx.msk [tilespmem:v7+s17+$0x0], $0xffff  }
0x27: {  	v8 =	vld.idx.msk [tilespmem:v8+s17+$0x0], $0xffff  }
0x28: {  	v9 =	vld.idx.msk [tilespmem:v9+s17+$0x0], $0xffff;
	_ =	sdelay $0x1  }
0x29: {  	s16 =	simm.s32 $0x4040;
	v10 =	vld.idx.msk [tilespmem:v10+s17+$0x0], $0xffff;
	v5 =	vsub.s32 $0x3FFFFFFF, v5  }
0x2a: {  	v11 =	vld.idx.msk [tilespmem:v11+s17+$0x0], $0xffff;
	v4 =	vsub.s32 $0x3FFFFFFF, v4;
	v6 =	vsub.s32 $0x3FFFFFFF, v6;
	[tilespmem:s16+$0xFFFFFFC0] =	vst v5  }
0x2b: {  	v7 =	vsub.s32 $0x3FFFFFFF, v7;
	v8 =	vsub.s32 $0x3FFFFFFF, v8;
	v13 =	vshll.u32 v5, $0x4;
	[tilespmem:s16+$0x30] =	vst v6  }
0x2c: {  	v9 =	vsub.s32 $0x3FFFFFFF, v9;
	v12 =	vshll.u32 v4, $0x4;
	[tilespmem:s16+$0xFFFFFFE0] =	vst v7;
	v61 =	vor.u32 v0, v13  }
0x2d: {  	v62 =	vshll.u32 v7, $0x4;
	[tilespmem:s16+$0xFFFFFFF0] =	vst v8;
	v5 =	vor.u32 v0, v12;
	v7 =	vand.u32 $0x3FFF, v61  }
0x2e: {  	v63 =	vshll.u32 v8, $0x4;
	[tilespmem:s16+$0x0] =	vst v9;
	v8 =	vor.u32 v0, v62;
	v5 =	vand.u32 $0x3FFF, v5  }
0x2f: {  	v11 =	vsub.s32 $0x3FFFFFFF, v11;
	[tilespmem:s16+$0xFFFFFFD0] =	vst v4;
	v4 =	vand.u32 $0x3FFF, v8  }
0x30: {  	v10 =	vsub.s32 $0x3FFFFFFF, v10;
	v9 =	vshll.u32 v9, $0x4;
	[tilespmem:s16+$0x20] =	vst v11;
	v12 =	vor.u32 v0, v63  }
0x31: {  	[tilespmem:s16+$0x10] =	vst v10;
	v8 =	vor.u32 v0, v9;
	v9 =	vshll.u32 v10, $0x4;
	v12 =	vand.u32 $0x3FFF, v12  }
0x32: {  	v9 =	vor.u32 v0, v9;
	v8 =	vand.u32 $0x3FFF, v8;
	[tilespmem:v7+s8+$0x0] =	vst.idx.add.s32.msk $0xffff, v3  }
0x33: {  	v9 =	vand.u32 $0x3FFF, v9;
	[tilespmem:v5+s8+$0x0] =	vst.idx.add.s32.msk $0xffff, v3;
	v5 =	vshll.u32 v11, $0x4  }
0x34: {  	v6 =	vshll.u32 v6, $0x4;
	[tilespmem:v4+s8+$0x0] =	vst.idx.add.s32.msk $0xffff, v3;
	v4 =	vor.u32 v0, v5  }
0x35: {  	v5 =	vor.u32 v0, v6;
	v7 =	vand.u32 $0x3FFF, v4  }
0x36: {  	s19 =	simm.s32 $0x9;
	[tilespmem:v12+s8+$0x0] =	vst.idx.add.s32.msk $0xffff, v3;
	v5 =	vand.u32 $0x3FFF, v5  }
0x37: {  	s21 =	simm.s32 $0x8;
	s18 =	simm.s32 $0xF;
	[tilespmem:v8+s8+$0x0] =	vst.idx.add.s32.msk $0xffff, v3;
	v8 =	vor.u32 s19, v2  }
0x38: {  	s20 =	simm.s32 $0x17;
	v6 =	vor.u32 s21, v2;
	s21 =	simm.s32 $0xA;
	v4 =	vor.u32 s18, v2;
	[tilespmem:v9+s8+$0x0] =	vst.idx.add.s32.msk $0xffff, v3  }
.LBB2_5:
0x39: {  	v9 =	vor.u32 s21, v2;
	s21 =	sadd.s32 $0xFFFFFFFC, s18  }
0x3a: {  	[tilespmem:v7+s8+$0x0] =	vst.idx.add.s32.msk $0xffff, v3;
	s16 =	sadd.s32 $0x80, s16;
	s22 =	smov.u32 s20;
	s19 =	sadd.s32 $0x8, s20  }
0x3b: {  	p0 =	sne.s32 s20, $0x3E7;
	s20 =	sadd.s32 $0xFFFFFFFD, s18;
	v7 =	vor.u32 s21, v2;
	[tilespmem:v5+s8+$0x0] =	vst.idx.add.s32.msk $0xffff, v3  }
0x3c: {  	v5 =	vld.idx.msk [tilespmem:v8+s17+$0x0], $0xffff;
	v8 =	vor.u32 s20, v2;
	s20 =	sadd.s32 $0xFFFFFFFE, s18  }
0x3d: {  	v6 =	vld.idx.msk [tilespmem:v6+s17+$0x0], $0xffff;
	v10 =	vor.u32 s20, v2;
	s20 =	sadd.s32 $0xFFFFFFFF, s18;
	s18 =	smov.u32 s22  }
0x3e: {  	v11 =	vor.u32 s20, v2;
	v4 =	vld.idx.msk [tilespmem:v4+s17+$0x0], $0xffff  }
0x3f: {  	v9 =	vld.idx.msk [tilespmem:v9+s17+$0x0], $0xffff  }
0x40: {  	v7 =	vld.idx.msk [tilespmem:v7+s17+$0x0], $0xffff  }
0x41: {  	v8 =	vld.idx.msk [tilespmem:v8+s17+$0x0], $0xffff  }
0x42: {  	v5 =	vsub.s32 $0x3FFFFFFF, v5;
	v10 =	vld.idx.msk [tilespmem:v10+s17+$0x0], $0xffff  }
0x43: {  	v6 =	vsub.s32 $0x3FFFFFFF, v6;
	v12 =	vshll.u32 v5, $0x4;
	v11 =	vld.idx.msk [tilespmem:v11+s17+$0x0], $0xffff  }
0x44: {  	v4 =	vsub.s32 $0x3FFFFFFF, v4;
	v13 =	vshll.u32 v6, $0x4;
	v12 =	vor.u32 v0, v12;
	[tilespmem:s16+$0xFFFFFFC0] =	vst v6  }
0x45: {  	v6 =	vsub.s32 $0x3FFFFFFF, v9;
	v9 =	vor.u32 v0, v13;
	v12 =	vand.u32 $0x3FFF, v12;
	[tilespmem:s16+$0x30] =	vst v4  }
0x46: {  	v7 =	vsub.s32 $0x3FFFFFFF, v7;
	v13 =	vshll.u32 v6, $0x4;
	[tilespmem:s16+$0xFFFFFFE0] =	vst v6;
	v6 =	vand.u32 $0x3FFF, v9  }
0x47: {  	v8 =	vsub.s32 $0x3FFFFFFF, v8;
	v9 =	vor.u32 v0, v13;
	v13 =	vshll.u32 v7, $0x4;
	[tilespmem:s16+$0xFFFFFFF0] =	vst v7  }
0x48: {  	v7 =	vsub.s32 $0x3FFFFFFF, v10;
	v10 =	vor.u32 v0, v13;
	v13 =	vshll.u32 v8, $0x4;
	[tilespmem:s16+$0x0] =	vst v8  }
0x49: {  	v8 =	vsub.s32 $0x3FFFFFFF, v11;
	v11 =	vor.u32 v0, v13;
	[tilespmem:s16+$0xFFFFFFD0] =	vst v5;
	v5 =	vand.u32 $0x3FFF, v9  }
0x4a: {  	v10 =	vand.u32 $0x3FFF, v10;
	v9 =	vshll.u32 v7, $0x4;
	v13 =	vshll.u32 v8, $0x4;
	[tilespmem:s16+$0x20] =	vst v8  }
0x4b: {  	v11 =	vand.u32 $0x3FFF, v11;
	v8 =	vor.u32 v0, v9;
	v9 =	vor.u32 v0, v13;
	[tilespmem:s16+$0x10] =	vst v7  }
0x4c: {  	v4 =	vshll.u32 v4, $0x4;
	v13 =	vand.u32 $0x3FFF, v8;
	v7 =	vand.u32 $0x3FFF, v9;
	[tilespmem:v6+s8+$0x0] =	vst.idx.add.s32.msk $0xffff, v3  }
.Ltmp1:
0x4d: {  	v4 =	vor.u32 v0, v4;
	[tilespmem:v12+s8+$0x0] =	vst.idx.add.s32.msk $0xffff, v3;
	(pc) =	sbr.rel @p0 .LBB2_5-.Ltmp1, $4  }
0x4e: {  	s20 =	sadd.s32 $0xFFFFFFFA, s18;
	[tilespmem:v5+s8+$0x0] =	vst.idx.add.s32.msk $0xffff, v3;
	v5 =	vand.u32 $0x3FFF, v4  }
0x4f: {  	s21 =	sadd.s32 $0xFFFFFFF9, s18;
	v8 =	vor.u32 s20, v2;
	[tilespmem:v10+s8+$0x0] =	vst.idx.add.s32.msk $0xffff, v3  }
0x50: {  	v6 =	vor.u32 s21, v2;
	[tilespmem:v11+s8+$0x0] =	vst.idx.add.s32.msk $0xffff, v3  }
0x51: {  	s20 =	smov.u32 s19;
	s21 =	sadd.s32 $0xFFFFFFFB, s18;
	v4 =	vor.u32 s18, v2;
	[tilespmem:v13+s8+$0x0] =	vst.idx.add.s32.msk $0xffff, v3  }
0x52: {  	_ =	sdelay $0x3  }
0x53: {  	v9 =	vor.u32 s21, v2;
	s17 =	sadd.s32 $0xFFFFFFFC, s18;
	[tilespmem:v7+s8+$0x0] =	vst.idx.add.s32.msk $0xffff, v3  }
0x54: {  	s19 =	simm.s32 $0x0;
	s29 =	sadd.s32 $0xFFFFFFFD, s18;
	v7 =	vor.u32 s17, v2;
	[tilespmem:v5+s8+$0x0] =	vst.idx.add.s32.msk $0xffff, v3  }
0x55: {  	s30 =	sadd.s32 $0xFFFFFFFE, s18;
	v56 =	vor.u32 s29, v2;
	v5 =	vld.idx.msk [tilespmem:v8+s19+$0x0], $0xffff  }
0x56: {  	s31 =	sadd.s32 $0xFFFFFFFF, s18;
	v10 =	vor.u32 s30, v2;
	v6 =	vld.idx.msk [tilespmem:v6+s19+$0x0], $0xffff  }
0x57: {  	v11 =	vor.u32 s31, v2;
	v4 =	vld.idx.msk [tilespmem:v4+s19+$0x0], $0xffff  }
0x58: {  	v9 =	vld.idx.msk [tilespmem:v9+s19+$0x0], $0xffff  }
0x59: {  	v7 =	vld.idx.msk [tilespmem:v7+s19+$0x0], $0xffff  }
0x5a: {  	v8 =	vld.idx.msk [tilespmem:v56+s19+$0x0], $0xffff  }
0x5b: {  	v10 =	vld.idx.msk [tilespmem:v10+s19+$0x0], $0xffff  }
0x5c: {  	s16 =	sadd.s32 $0x80, s16;
	v11 =	vld.idx.msk [tilespmem:v11+s19+$0x0], $0xffff;
	v5 =	vsub.s32 $0x3FFFFFFF, v5;
	v6 =	vsub.s32 $0x3FFFFFFF, v6  }
0x5d: {  	v4 =	vsub.s32 $0x3FFFFFFF, v4;
	v12 =	vshll.u32 v5, $0x4;
	v13 =	vshll.u32 v6, $0x4;
	[tilespmem:s16+$0xFFFFFFC0] =	vst v6  }
0x5e: {  	[tilespmem:s16+$0x30] =	vst v4;
	v6 =	vor.u32 v0, v12;
	v57 =	vor.u32 v0, v13;
	v9 =	vsub.s32 $0x3FFFFFFF, v9  }
0x5f: {  	[tilespmem:s16+$0xFFFFFFD0] =	vst v5;
	v6 =	vand.u32 $0x3FFF, v6;
	v59 =	vand.u32 $0x3FFF, v57;
	v7 =	vsub.s32 $0x3FFFFFFF, v7  }
0x60: {  	v58 =	vshll.u32 v9, $0x4;
	[tilespmem:s16+$0xFFFFFFE0] =	vst v9;
	v8 =	vsub.s32 $0x3FFFFFFF, v8;
	v10 =	vsub.s32 $0x3FFFFFFF, v10  }
0x61: {  	v11 =	vsub.s32 $0x3FFFFFFF, v11;
	v60 =	vshll.u32 v7, $0x4;
	[tilespmem:s16+$0xFFFFFFF0] =	vst v7;
	v7 =	vor.u32 v0, v58  }
0x62: {  	[tilespmem:s16+$0x0] =	vst v8;
	v8 =	vshll.u32 v8, $0x4;
	v12 =	vor.u32 v0, v60;
	v5 =	vand.u32 $0x3FFF, v7  }
0x63: {  	v61 =	vshll.u32 v10, $0x4;
	[tilespmem:s16+$0x20] =	vst v11;
	v7 =	vor.u32 v0, v8;
	v12 =	vand.u32 $0x3FFF, v12  }
0x64: {  	v11 =	vshll.u32 v11, $0x4;
	[tilespmem:s16+$0x10] =	vst v10;
	v8 =	vor.u32 v0, v61;
	v7 =	vand.u32 $0x3FFF, v7  }
0x65: {  	v4 =	vshll.u32 v4, $0x4;
	v62 =	vor.u32 v0, v11;
	v8 =	vand.u32 $0x3FFF, v8;
	[tilespmem:v59+s8+$0x0] =	vst.idx.add.s32.msk $0xffff, v3  }
0x66: {  	v4 =	vor.u32 v0, v4;
	v63 =	vand.u32 $0x3FFF, v62;
	[tilespmem:v6+s8+$0x0] =	vst.idx.add.s32.msk $0xffff, v3  }
0x67: {  	p0 =	por $0x1, $0x1;
	v4 =	vand.u32 $0x3FFF, v4;
	[tilespmem:v5+s8+$0x0] =	vst.idx.add.s32.msk $0xffff, v3  }
.Ltmp2:
0x68: {  	[tilespmem:v12+s8+$0x0] =	vst.idx.add.s32.msk $0xffff, v3;
	(pc) =	sbr.rel @!p0 .LBB2_8-.Ltmp2, $4  }
0x69: {  	[tilespmem:v7+s8+$0x0] =	vst.idx.add.s32.msk $0xffff, v3  }
0x6a: {  	[tilespmem:v8+s8+$0x0] =	vst.idx.add.s32.msk $0xffff, v3  }
0x6b: {  	[tilespmem:v63+s8+$0x0] =	vst.idx.add.s32.msk $0xffff, v3  }
0x6c: {  	s17 =	simm.s32 $0x200;
	s16 =	simm.s32 $0x0;
	[tilespmem:v4+s8+$0x0] =	vst.idx.add.s32.msk $0xffff, v3;
	v4 =	vimm.s32 $0x0  }
.LBB2_7:
0x6d: {  	p0 =	sne.s32 s17, $0xFE00;
	v5 =	vld [tilespmem:s16+$0x10000];
	[tilespmem:s16+$0x10000] =	vst v4  }
0x6e: {  	v6 =	vld [tilespmem:s16+$0x10010];
	[tilespmem:s16+$0x14000] =	vst v1  }
0x6f: {  	v7 =	vld [tilespmem:s16+$0x10020];
	[tilespmem:s16+$0x14010] =	vst v1  }
0x70: {  	v8 =	vld [tilespmem:s16+$0x10030];
	[tilespmem:s16+$0x14020] =	vst v1  }
0x71: {  	v9 =	vld [tilespmem:s16+$0x10040];
	[tilespmem:s16+$0x14030] =	vst v1  }
0x72: {  	v10 =	vld [tilespmem:s16+$0x10050];
	v4 =	vadd.s32 v4, v5;
	[tilespmem:s16+$0x14040] =	vst v1  }
0x73: {  	v5 =	vld [tilespmem:s16+$0x10060];
	[tilespmem:s16+$0x10010] =	vst v4;
	v4 =	vadd.s32 v6, v4  }
0x74: {  	v6 =	vld [tilespmem:s16+$0x10070];
	[tilespmem:s16+$0x10020] =	vst v4;
	v4 =	vadd.s32 v7, v4  }
0x75: {  	[tilespmem:s16+$0x10030] =	vst v4;
	v4 =	vadd.s32 v8, v4  }
0x76: {  	[tilespmem:s16+$0x10040] =	vst v4;
	v4 =	vadd.s32 v9, v4  }
0x77: {  	[tilespmem:s16+$0x10050] =	vst v4;
	v4 =	vadd.s32 v10, v4  }
.Ltmp3:
0x78: {  	[tilespmem:s16+$0x10060] =	vst v4;
	v4 =	vadd.s32 v5, v4;
	(pc) =	sbr.rel @p0 .LBB2_7-.Ltmp3, $4  }
0x79: {  	[tilespmem:s16+$0x10070] =	vst v4;
	v4 =	vadd.s32 v6, v4  }
0x7a: {  	[tilespmem:s16+$0x14050] =	vst v1  }
0x7b: {  	[tilespmem:s16+$0x14060] =	vst v1  }
0x7c: {  	[tilespmem:s16+$0x14070] =	vst v1;
	s16 =	sshra.s32 s17, $0x2;
	s17 =	sadd.s32 $0x200, s17  }
.LBB2_8:
0x7d: {  	v5 =	vld [tilespmem:s16+$0x10000];
	[tilespmem:s16+$0x10000] =	vst v4  }
0x7e: {  	[tilespmem:s16+$0x14000] =	vst v1  }
0x7f: {  	[tilespmem:s16+$0x14010] =	vst v1  }
0x80: {  	[tilespmem:s16+$0x14020] =	vst v1  }
0x81: {  	v6 =	vld [tilespmem:s16+$0x10010];
	[tilespmem:s16+$0x14030] =	vst v1  }
0x82: {  	v7 =	vld [tilespmem:s16+$0x10020];
	[tilespmem:s16+$0x14040] =	vst v1  }
0x83: {  	v8 =	vld [tilespmem:s16+$0x10030];
	[tilespmem:s16+$0x14050] =	vst v1  }
0x84: {  	v9 =	vld [tilespmem:s16+$0x10040];
	[tilespmem:s16+$0x14060] =	vst v1  }
0x85: {  	v10 =	vld [tilespmem:s16+$0x10050];
	[tilespmem:s16+$0x14070] =	vst v1;
	v4 =	vadd.s32 v4, v5  }
0x86: {  	v5 =	vld [tilespmem:s16+$0x10060];
	[tilespmem:s16+$0x10010] =	vst v4;
	v4 =	vadd.s32 v6, v4  }
0x87: {  	[tilespmem:s16+$0x10020] =	vst v4;
	v4 =	vadd.s32 v7, v4  }
0x88: {  	[tilespmem:s16+$0x10030] =	vst v4;
	v4 =	vadd.s32 v8, v4  }
0x89: {  	[tilespmem:s16+$0x10040] =	vst v4;
	v4 =	vadd.s32 v9, v4  }
0x8a: {  	[tilespmem:s16+$0x10050] =	vst v4;
	v4 =	vadd.s32 v10, v4  }
0x8b: {  	[tilespmem:s16+$0x10060] =	vst v4;
	v4 =	vadd.s32 v5, v4  }
0x8c: {  	s17 =	simm.s32 $0x4040;
	[tilespmem:s16+$0x10070] =	vst v4;
	s16 =	simm.s32 $0x7  }
.LBB2_9:
0x8d: {  	v4 =	vld [tilespmem:s17+$0xFFFFFFC0];
	_ =	sdelay $0x1  }
0x8e: {  	v5 =	vld [tilespmem:s17+$0xFFFFFFD0];
	_ =	sdelay $0x1  }
0x8f: {  	v6 =	vld [tilespmem:s17+$0xFFFFFFE0]  }
0x90: {  	v7 =	vshll.u32 v4, $0x4  }
0x91: {  	v8 =	vld [tilespmem:s17+$0xFFFFFFF0];
	v7 =	vor.u32 v0, v7  }
0x92: {  	v9 =	vshll.u32 v5, $0x4;
	v7 =	vand.u32 $0x3FFF, v7  }
0x93: {  	v10 =	vld [tilespmem:s17+$0x0];
	v9 =	vor.u32 v0, v9  }
0x94: {  	v11 =	vld [tilespmem:s17+$0x10];
	v12 =	vshll.u32 v6, $0x4;
	v9 =	vand.u32 $0x3FFF, v9  }
0x95: {  	v13 =	vld [tilespmem:s17+$0x20];
	v12 =	vor.u32 v0, v12  }
0x96: {  	v14 =	vld [tilespmem:s17+$0x30];
	v15 =	vshll.u32 v8, $0x4;
	v12 =	vand.u32 $0x3FFF, v12  }
0x97: {  	v15 =	vor.u32 v0, v15;
	v16 =	vld.idx.msk [tilespmem:v7+s8+$0x0], $0xffff  }
0x98: {  	v17 =	vshll.u32 v10, $0x4;
	v63 =	vand.u32 $0x3FFF, v15;
	[tilespmem:v7+s8+$0x0] =	vst.idx.add.s32.msk $0xffff, v3  }
0x99: {  	v23 =	vor.u32 v0, v17;
	v24 =	vld.idx.msk [tilespmem:v9+s8+$0x0], $0xffff  }
0x9a: {  	v18 =	vshll.u32 v11, $0x4;
	v25 =	vand.u32 $0x3FFF, v23;
	[tilespmem:v9+s8+$0x0] =	vst.idx.add.s32.msk $0xffff, v3  }
0x9b: {  	v26 =	vor.u32 v0, v18;
	v27 =	vld.idx.msk [tilespmem:v12+s8+$0x0], $0xffff  }
0x9c: {  	v19 =	vshll.u32 v13, $0x4;
	v28 =	vand.u32 $0x3FFF, v26;
	[tilespmem:v12+s8+$0x0] =	vst.idx.add.s32.msk $0xffff, v3  }
0x9d: {  	v29 =	vor.u32 v0, v19;
	v30 =	vld.idx.msk [tilespmem:v63+s8+$0x0], $0xffff  }
0x9e: {  	v20 =	vshll.u32 v14, $0x4;
	v31 =	vand.u32 $0x3FFF, v29;
	[tilespmem:v63+s8+$0x0] =	vst.idx.add.s32.msk $0xffff, v3  }
0x9f: {  	v32 =	vor.u32 v0, v20;
	v33 =	vld.idx.msk [tilespmem:v25+s8+$0x0], $0xffff  }
0xa0: {  	v34 =	vand.u32 $0x3FFF, v32;
	[tilespmem:v25+s8+$0x0] =	vst.idx.add.s32.msk $0xffff, v3  }
0xa1: {  	v35 =	vld.idx.msk [tilespmem:v28+s8+$0x0], $0xffff;
	v16 =	vshll.u32 v16, $0x4  }
0xa2: {  	v36 =	vshrl.u32 v4, $0x6;
	[tilespmem:v28+s8+$0x0] =	vst.idx.add.s32.msk $0xffff, v3;
	v16 =	vor.u32 v0, v16  }
0xa3: {  	v12 =	vand.u32 $0x3FF0, v36;
	v21 =	vld.idx.msk [tilespmem:v31+s8+$0x0], $0xffff  }
0xa4: {  	v12 =	vor.u32 v0, v12;
	[tilespmem:v31+s8+$0x0] =	vst.idx.add.s32.msk $0xffff, v3;
	v37 =	vshll.u32 v24, $0x4  }
0xa5: {  	v22 =	vshrl.u32 v5, $0x6;
	v38 =	vld.idx.msk [tilespmem:v34+s8+$0x0], $0xffff;
	v7 =	vor.u32 v0, v37  }
0xa6: {  	s18 =	sadd.s32 $0xFFFFFFF9, s16;
	v39 =	vand.u32 $0x3FF0, v22;
	[tilespmem:v34+s8+$0x0] =	vst.idx.add.s32.msk $0xffff, v3  }
0xa7: {  	v40 =	vmov s18;
	v18 =	vshll.u32 v27, $0x4;
	[tilespmem:v16+s9+$0x0] =	vst.idx.msk $0xffff, v4;
	v4 =	vor.u32 v0, v39  }
0xa8: {  	v41 =	vshrl.u32 v6, $0x6;
	v42 =	vor.u32 v0, v18;
	[tilespmem:v16+s10+$0x0] =	vst.idx.msk $0xffff, v40  }
0xa9: {  	s25 =	sadd.s32 $0xFFFFFFFA, s16;
	v9 =	vand.u32 $0x3FF0, v41;
	[tilespmem:v12+s11+$0x0] =	vst.idx.add.s32.msk $0xffff, v3  }
0xaa: {  	v43 =	vmov s25;
	v44 =	vshll.u32 v30, $0x4;
	[tilespmem:v7+s9+$0x0] =	vst.idx.msk $0xffff, v5;
	v5 =	vor.u32 v0, v9  }
0xab: {  	v45 =	vshrl.u32 v8, $0x6;
	v46 =	vor.u32 v0, v44;
	[tilespmem:v7+s10+$0x0] =	vst.idx.msk $0xffff, v43  }
0xac: {  	s26 =	sadd.s32 $0xFFFFFFFB, s16;
	[tilespmem:v4+s11+$0x0] =	vst.idx.add.s32.msk $0xffff, v3;
	v4 =	vand.u32 $0x3FF0, v45  }
0xad: {  	v47 =	vmov s26;
	v48 =	vshll.u32 v33, $0x4;
	[tilespmem:v42+s9+$0x0] =	vst.idx.msk $0xffff, v6;
	v4 =	vor.u32 v0, v4  }
0xae: {  	v49 =	vshrl.u32 v10, $0x6;
	v50 =	vor.u32 v0, v48;
	[tilespmem:v42+s10+$0x0] =	vst.idx.msk $0xffff, v47  }
0xaf: {  	s28 =	sadd.s32 $0xFFFFFFFC, s16;
	[tilespmem:v5+s11+$0x0] =	vst.idx.add.s32.msk $0xffff, v3;
	v5 =	vand.u32 $0x3FF0, v49  }
0xb0: {  	v51 =	vmov s28;
	v52 =	vshll.u32 v35, $0x4;
	[tilespmem:v46+s9+$0x0] =	vst.idx.msk $0xffff, v8;
	v5 =	vor.u32 v0, v5  }
0xb1: {  	v53 =	vshrl.u32 v11, $0x6;
	v54 =	vor.u32 v0, v52;
	[tilespmem:v46+s10+$0x0] =	vst.idx.msk $0xffff, v51  }
0xb2: {  	s29 =	sadd.s32 $0xFFFFFFFD, s16;
	[tilespmem:v4+s11+$0x0] =	vst.idx.add.s32.msk $0xffff, v3;
	v4 =	vand.u32 $0x3FF0, v53  }
0xb3: {  	v55 =	vmov s29;
	v56 =	vshll.u32 v21, $0x4;
	[tilespmem:v50+s9+$0x0] =	vst.idx.msk $0xffff, v10;
	v4 =	vor.u32 v0, v4  }
0xb4: {  	v57 =	vshrl.u32 v13, $0x6;
	v58 =	vor.u32 v0, v56;
	[tilespmem:v50+s10+$0x0] =	vst.idx.msk $0xffff, v55  }
0xb5: {  	s30 =	sadd.s32 $0xFFFFFFFE, s16;
	[tilespmem:v5+s11+$0x0] =	vst.idx.add.s32.msk $0xffff, v3;
	v5 =	vand.u32 $0x3FF0, v57  }
0xb6: {  	v59 =	vmov s30;
	v60 =	vshll.u32 v38, $0x4;
	[tilespmem:v54+s9+$0x0] =	vst.idx.msk $0xffff, v11;
	v5 =	vor.u32 v0, v5  }
0xb7: {  	v61 =	vshrl.u32 v14, $0x6;
	v62 =	vor.u32 v0, v60;
	[tilespmem:v54+s10+$0x0] =	vst.idx.msk $0xffff, v59  }
0xb8: {  	s31 =	sadd.s32 $0xFFFFFFFF, s16;
	[tilespmem:v4+s11+$0x0] =	vst.idx.add.s32.msk $0xffff, v3;
	v4 =	vand.u32 $0x3FF0, v61  }
0xb9: {  	p0 =	sne.s32 s16, $0x3E7;
	v63 =	vmov s31;
	[tilespmem:v58+s9+$0x0] =	vst.idx.msk $0xffff, v13;
	v4 =	vor.u32 v0, v4  }
.Ltmp4:
0xba: {  	[tilespmem:v58+s10+$0x0] =	vst.idx.msk $0xffff, v63;
	(pc) =	sbr.rel @p0 .LBB2_9-.Ltmp4, $4  }
0xbb: {  	[tilespmem:v5+s11+$0x0] =	vst.idx.add.s32.msk $0xffff, v3  }
0xbc: {  	v5 =	vmov s16;
	[tilespmem:v62+s9+$0x0] =	vst.idx.msk $0xffff, v14  }
0xbd: {  	[tilespmem:v62+s10+$0x0] =	vst.idx.msk $0xffff, v5  }
0xbe: {  	s17 =	sadd.s32 $0x80, s17;
	s16 =	sadd.s32 $0x8, s16;
	[tilespmem:v4+s11+$0x0] =	vst.idx.add.s32.msk $0xffff, v3  }
0xbf: {  	v4 =	vimm.s32 $0x0;
	s16 =	simm.s32 $0x0;
	s17 =	simm.s32 $0x200  }
.LBB2_11:
0xc0: {  	p0 =	sne.s32 s17, $0xFE00;
	v5 =	vld [tilespmem:s16+$0x14000];
	[tilespmem:s16+$0x14000] =	vst v4  }
0xc1: {  	v6 =	vld [tilespmem:s16+$0x14010];
	[tilespmem:s16+$0x10000] =	vst v1  }
0xc2: {  	v7 =	vld [tilespmem:s16+$0x14020];
	[tilespmem:s16+$0x10010] =	vst v1  }
0xc3: {  	v8 =	vld [tilespmem:s16+$0x14030];
	[tilespmem:s16+$0x10020] =	vst v1  }
0xc4: {  	v9 =	vld [tilespmem:s16+$0x14040];
	[tilespmem:s16+$0x10030] =	vst v1  }
0xc5: {  	v10 =	vld [tilespmem:s16+$0x14050];
	v4 =	vadd.s32 v4, v5;
	[tilespmem:s16+$0x10040] =	vst v1  }
0xc6: {  	v5 =	vld [tilespmem:s16+$0x14060];
	[tilespmem:s16+$0x14010] =	vst v4;
	v4 =	vadd.s32 v6, v4  }
0xc7: {  	v6 =	vld [tilespmem:s16+$0x14070];
	[tilespmem:s16+$0x14020] =	vst v4;
	v4 =	vadd.s32 v7, v4  }
0xc8: {  	[tilespmem:s16+$0x14030] =	vst v4;
	v4 =	vadd.s32 v8, v4  }
0xc9: {  	[tilespmem:s16+$0x14040] =	vst v4;
	v4 =	vadd.s32 v9, v4  }
0xca: {  	[tilespmem:s16+$0x14050] =	vst v4;
	v4 =	vadd.s32 v10, v4  }
.Ltmp5:
0xcb: {  	[tilespmem:s16+$0x14060] =	vst v4;
	v4 =	vadd.s32 v5, v4;
	(pc) =	sbr.rel @p0 .LBB2_11-.Ltmp5, $4  }
0xcc: {  	[tilespmem:s16+$0x14070] =	vst v4;
	v4 =	vadd.s32 v6, v4  }
0xcd: {  	[tilespmem:s16+$0x10050] =	vst v1  }
0xce: {  	[tilespmem:s16+$0x10060] =	vst v1  }
0xcf: {  	[tilespmem:s16+$0x10070] =	vst v1;
	s16 =	sshra.s32 s17, $0x2;
	s17 =	sadd.s32 $0x200, s17  }
0xd0: {  	v5 =	vld [tilespmem:s16+$0x14000];
	[tilespmem:s16+$0x14000] =	vst v4  }
0xd1: {  	[tilespmem:s16+$0x10000] =	vst v1  }
0xd2: {  	[tilespmem:s16+$0x10010] =	vst v1  }
0xd3: {  	[tilespmem:s16+$0x10020] =	vst v1  }
0xd4: {  	v6 =	vld [tilespmem:s16+$0x14010];
	[tilespmem:s16+$0x10030] =	vst v1  }
0xd5: {  	v7 =	vld [tilespmem:s16+$0x14020];
	[tilespmem:s16+$0x10040] =	vst v1  }
0xd6: {  	v8 =	vld [tilespmem:s16+$0x14030];
	[tilespmem:s16+$0x10050] =	vst v1  }
0xd7: {  	v9 =	vld [tilespmem:s16+$0x14040];
	[tilespmem:s16+$0x10060] =	vst v1  }
0xd8: {  	v10 =	vld [tilespmem:s16+$0x14050];
	[tilespmem:s16+$0x10070] =	vst v1;
	v4 =	vadd.s32 v4, v5  }
0xd9: {  	v5 =	vld [tilespmem:s16+$0x14060];
	[tilespmem:s16+$0x14010] =	vst v4;
	v4 =	vadd.s32 v6, v4  }
0xda: {  	[tilespmem:s16+$0x14020] =	vst v4;
	v4 =	vadd.s32 v7, v4  }
0xdb: {  	[tilespmem:s16+$0x14030] =	vst v4;
	v4 =	vadd.s32 v8, v4  }
0xdc: {  	[tilespmem:s16+$0x14040] =	vst v4;
	v4 =	vadd.s32 v9, v4  }
0xdd: {  	[tilespmem:s16+$0x14050] =	vst v4;
	v4 =	vadd.s32 v10, v4  }
0xde: {  	[tilespmem:s16+$0x14060] =	vst v4;
	v4 =	vadd.s32 v5, v4  }
0xdf: {  	s31 =	simm.s32 $0x0;
	[tilespmem:s16+$0x14070] =	vst v4  }
0xe0: {  	v7 =	vld [tilespmem:s31+$0x8020]  }
0xe1: {  	v8 =	vld [tilespmem:s31+$0x8010]  }
0xe2: {  	v4 =	vld [tilespmem:s31+$0xC060]  }
0xe3: {  	v9 =	vld [tilespmem:s31+$0xC030]  }
0xe4: {  	v10 =	vld [tilespmem:s31+$0x8000]  }
0xe5: {  	v11 =	vld [tilespmem:s31+$0xC010]  }
0xe6: {  	v12 =	vld [tilespmem:s31+$0x8030]  }
0xe7: {  	v13 =	vld [tilespmem:s31+$0xC000]  }
0xe8: {  	v14 =	vld [tilespmem:s31+$0x8040]  }
0xe9: {  	v5 =	vld [tilespmem:s31+$0x8070];
	v6 =	vshrl.u32 v10, $0x6  }
0xea: {  	v15 =	vld [tilespmem:s31+$0x8050];
	v6 =	vand.u32 $0x3FF0, v6  }
0xeb: {  	v17 =	vld [tilespmem:s31+$0x8060];
	v16 =	vshrl.u32 v8, $0x6;
	v18 =	vor.u32 v0, v6  }
0xec: {  	v63 =	vld [tilespmem:s31+$0xC040];
	v6 =	vand.u32 $0x3FF0, v16  }
0xed: {  	v20 =	vld [tilespmem:s31+$0xC050];
	v19 =	vshrl.u32 v7, $0x6;
	v21 =	vor.u32 v0, v6  }
0xee: {  	v22 =	vld [tilespmem:s31+$0xC020];
	v19 =	vand.u32 $0x3FF0, v19  }
0xef: {  	v23 =	vshrl.u32 v12, $0x6;
	v19 =	vor.u32 v0, v19;
	v6 =	vld [tilespmem:s31+$0xC070]  }
0xf0: {  	v23 =	vand.u32 $0x3FF0, v23;
	v24 =	vld.idx.msk [tilespmem:v18+s11+$0x0], $0xffff  }
0xf1: {  	v25 =	vshrl.u32 v14, $0x6;
	v32 =	vor.u32 v0, v23;
	[tilespmem:v18+s11+$0x0] =	vst.idx.add.s32.msk $0xffff, v3  }
0xf2: {  	v33 =	vand.u32 $0x3FF0, v25;
	v34 =	vld.idx.msk [tilespmem:v21+s11+$0x0], $0xffff  }
0xf3: {  	v26 =	vshrl.u32 v15, $0x6;
	v35 =	vor.u32 v0, v33;
	[tilespmem:v21+s11+$0x0] =	vst.idx.add.s32.msk $0xffff, v3  }
0xf4: {  	v36 =	vand.u32 $0x3FF0, v26;
	v37 =	vld.idx.msk [tilespmem:v19+s11+$0x0], $0xffff  }
0xf5: {  	v27 =	vshrl.u32 v17, $0x6;
	v38 =	vor.u32 v0, v36;
	[tilespmem:v19+s11+$0x0] =	vst.idx.add.s32.msk $0xffff, v3  }
0xf6: {  	v39 =	vand.u32 $0x3FF0, v27;
	v40 =	vld.idx.msk [tilespmem:v32+s11+$0x0], $0xffff  }
0xf7: {  	v28 =	vshrl.u32 v5, $0x6;
	v41 =	vor.u32 v0, v39;
	[tilespmem:v32+s11+$0x0] =	vst.idx.add.s32.msk $0xffff, v3  }
0xf8: {  	v42 =	vand.u32 $0x3FF0, v28;
	v43 =	vld.idx.msk [tilespmem:v35+s11+$0x0], $0xffff  }
0xf9: {  	v44 =	vor.u32 v0, v42;
	[tilespmem:v35+s11+$0x0] =	vst.idx.add.s32.msk $0xffff, v3  }
0xfa: {  	v45 =	vshll.u32 v24, $0x4;
	v46 =	vld.idx.msk [tilespmem:v38+s11+$0x0], $0xffff  }
0xfb: {  	v29 =	vshrl.u32 v10, $0x10;
	[tilespmem:v38+s11+$0x0] =	vst.idx.add.s32.msk $0xffff, v3;
	v47 =	vor.u32 v0, v45  }
0xfc: {  	v48 =	vand.u32 $0x3FF0, v29;
	v49 =	vld.idx.msk [tilespmem:v41+s11+$0x0], $0xffff  }
0xfd: {  	v50 =	vor.u32 v0, v48;
	v25 =	vshll.u32 v34, $0x4;
	[tilespmem:v41+s11+$0x0] =	vst.idx.add.s32.msk $0xffff, v3  }
0xfe: {  	v51 =	vshrl.u32 v8, $0x10;
	v30 =	vld.idx.msk [tilespmem:v44+s11+$0x0], $0xffff;
	v25 =	vor.u32 v0, v25  }
0xff: {  	v23 =	vand.u32 $0x3FF0, v51;
	[tilespmem:v44+s11+$0x0] =	vst.idx.add.s32.msk $0xffff, v3  }
0x100: {  	s16 =	simm.s32 $0x0;
	v52 =	vshll.u32 v37, $0x4;
	[tilespmem:v47+s12+$0x0] =	vst.idx.msk $0xffff, v10;
	v10 =	vor.u32 v0, v23  }
0x101: {  	v53 =	vshrl.u32 v7, $0x10;
	v54 =	vor.u32 v0, v52;
	[tilespmem:v47+s16+$0x0] =	vst.idx.msk $0xffff, v13  }
0x102: {  	v55 =	vand.u32 $0x3FF0, v53;
	[tilespmem:v50+s8+$0x0] =	vst.idx.add.s32.msk $0xffff, v3  }
0x103: {  	v56 =	vshll.u32 v40, $0x4;
	[tilespmem:v25+s12+$0x0] =	vst.idx.msk $0xffff, v8;
	v8 =	vor.u32 v0, v55  }
0x104: {  	v57 =	vshrl.u32 v12, $0x10;
	[tilespmem:v25+s16+$0x0] =	vst.idx.msk $0xffff, v11;
	v11 =	vor.u32 v0, v56  }
0x105: {  	v58 =	vand.u32 $0x3FF0, v57;
	[tilespmem:v10+s8+$0x0] =	vst.idx.add.s32.msk $0xffff, v3  }
0x106: {  	v10 =	vshll.u32 v43, $0x4;
	[tilespmem:v54+s12+$0x0] =	vst.idx.msk $0xffff, v7;
	v7 =	vor.u32 v0, v58  }
0x107: {  	v59 =	vshrl.u32 v14, $0x10;
	v10 =	vor.u32 v0, v10;
	[tilespmem:v54+s16+$0x0] =	vst.idx.msk $0xffff, v22  }
0x108: {  	v60 =	vand.u32 $0x3FF0, v59;
	[tilespmem:v8+s8+$0x0] =	vst.idx.add.s32.msk $0xffff, v3  }
0x109: {  	v61 =	vor.u32 v0, v60;
	v8 =	vshll.u32 v46, $0x4;
	[tilespmem:v11+s12+$0x0] =	vst.idx.msk $0xffff, v12  }
0x10a: {  	v8 =	vor.u32 v0, v8;
	[tilespmem:v11+s16+$0x0] =	vst.idx.msk $0xffff, v9  }
0x10b: {  	v62 =	vshrl.u32 v15, $0x10;
	[tilespmem:v7+s8+$0x0] =	vst.idx.add.s32.msk $0xffff, v3  }
0x10c: {  	v9 =	vand.u32 $0x3FF0, v62;
	[tilespmem:v10+s12+$0x0] =	vst.idx.msk $0xffff, v14  }
0x10d: {  	v7 =	vshll.u32 v49, $0x4;
	v9 =	vor.u32 v0, v9;
	[tilespmem:v10+s16+$0x0] =	vst.idx.msk $0xffff, v63  }
0x10e: {  	v7 =	vor.u32 v0, v7;
	v10 =	vshrl.u32 v17, $0x10;
	[tilespmem:v61+s8+$0x0] =	vst.idx.add.s32.msk $0xffff, v3  }
0x10f: {  	v10 =	vand.u32 $0x3FF0, v10;
	[tilespmem:v8+s12+$0x0] =	vst.idx.msk $0xffff, v15  }
0x110: {  	v63 =	vshll.u32 v30, $0x4;
	[tilespmem:v8+s16+$0x0] =	vst.idx.msk $0xffff, v20;
	v8 =	vor.u32 v0, v10  }
0x111: {  	v11 =	vshrl.u32 v5, $0x10;
	v10 =	vor.u32 v0, v63  }
0x112: {  	v11 =	vand.u32 $0x3FF0, v11;
	[tilespmem:v9+s8+$0x0] =	vst.idx.add.s32.msk $0xffff, v3  }
0x113: {  	s17 =	simm.s32 $0x200;
	v9 =	vor.u32 v0, v11;
	[tilespmem:v7+s12+$0x0] =	vst.idx.msk $0xffff, v17  }
.LBB2_13:
0x114: {  	p0 =	sne.s32 s17, $0xF800;
	[tilespmem:v7+s16+$0x0] =	vst.idx.msk $0xffff, v4;
	s18 =	smov.u32 s17;
	s17 =	sadd.s32 $0x200, s17  }
0x115: {  	[tilespmem:v8+s8+$0x0] =	vst.idx.add.s32.msk $0xffff, v3  }
0x116: {  	[tilespmem:v10+s12+$0x0] =	vst.idx.msk $0xffff, v5  }
0x117: {  	[tilespmem:v10+s16+$0x0] =	vst.idx.msk $0xffff, v6  }
0x118: {  	s18 =	sshra.s32 s18, $0x2;
	[tilespmem:v9+s8+$0x0] =	vst.idx.add.s32.msk $0xffff, v3  }
0x119: {  	v8 =	vld [tilespmem:s18+$0x8020]  }
0x11a: {  	v10 =	vld [tilespmem:s18+$0x8010]  }
0x11b: {  	v4 =	vld [tilespmem:s18+$0xC060]  }
0x11c: {  	v7 =	vld [tilespmem:s18+$0xC030]  }
0x11d: {  	v11 =	vld [tilespmem:s18+$0x8000]  }
0x11e: {  	v12 =	vld [tilespmem:s18+$0xC010];
	v5 =	vshrl.u32 v8, $0x6;
	v6 =	vshrl.u32 v8, $0x10  }
0x11f: {  	v13 =	vld [tilespmem:s18+$0x8030];
	v9 =	vshrl.u32 v10, $0x6;
	v14 =	vand.u32 $0x3FF0, v5;
	v5 =	vshrl.u32 v10, $0x10  }
0x120: {  	v18 =	vand.u32 $0x3FF0, v6;
	v15 =	vld [tilespmem:s18+$0xC000];
	v16 =	vand.u32 $0x3FF0, v9;
	v17 =	vand.u32 $0x3FF0, v5  }
0x121: {  	v19 =	vld [tilespmem:s18+$0x8040]  }
0x122: {  	v5 =	vld [tilespmem:s18+$0x8070];
	v6 =	vshrl.u32 v11, $0x6;
	v9 =	vshrl.u32 v11, $0x10  }
0x123: {  	v20 =	vld [tilespmem:s18+$0x8050];
	v6 =	vand.u32 $0x3FF0, v6;
	v21 =	vand.u32 $0x3FF0, v9  }
0x124: {  	v9 =	vld [tilespmem:s18+$0x8060];
	v22 =	vshrl.u32 v13, $0x6;
	v23 =	vor.u32 v0, v6;
	v6 =	vshrl.u32 v13, $0x10  }
0x125: {  	v24 =	vld [tilespmem:s18+$0xC040];
	v22 =	vand.u32 $0x3FF0, v22;
	v25 =	vand.u32 $0x3FF0, v6  }
0x126: {  	v16 =	vor.u32 v0, v16;
	v26 =	vld [tilespmem:s18+$0xC050];
	v6 =	vshrl.u32 v19, $0x6;
	v27 =	vshrl.u32 v19, $0x10  }
0x127: {  	v28 =	vld [tilespmem:s18+$0xC020];
	v29 =	vshrl.u32 v5, $0x6;
	v30 =	vand.u32 $0x3FF0, v6;
	v27 =	vand.u32 $0x3FF0, v27  }
0x128: {  	v14 =	vor.u32 v0, v14;
	v6 =	vld [tilespmem:s18+$0xC070];
	v31 =	vshrl.u32 v20, $0x6;
	v29 =	vand.u32 $0x3FF0, v29  }
0x129: {  	v34 =	vshrl.u32 v20, $0x10;
	v32 =	vshrl.u32 v9, $0x6;
	v33 =	vld.idx.msk [tilespmem:v23+s11+$0x0], $0xffff;
	v31 =	vand.u32 $0x3FF0, v31  }
0x12a: {  	v22 =	vor.u32 v0, v22;
	[tilespmem:v23+s11+$0x0] =	vst.idx.add.s32.msk $0xffff, v3;
	v23 =	vand.u32 $0x3FF0, v32;
	v32 =	vand.u32 $0x3FF0, v34  }
0x12b: {  	v36 =	vshrl.u32 v5, $0x10;
	v35 =	vshrl.u32 v9, $0x10;
	v34 =	vld.idx.msk [tilespmem:v16+s11+$0x0], $0xffff  }
0x12c: {  	[tilespmem:v16+s11+$0x0] =	vst.idx.add.s32.msk $0xffff, v3;
	v16 =	vor.u32 v0, v30;
	v30 =	vand.u32 $0x3FF0, v35;
	v35 =	vand.u32 $0x3FF0, v36  }
0x12d: {  	v36 =	vld.idx.msk [tilespmem:v14+s11+$0x0], $0xffff  }
0x12e: {  	[tilespmem:v14+s11+$0x0] =	vst.idx.add.s32.msk $0xffff, v3;
	v14 =	vor.u32 v0, v31  }
0x12f: {  	v33 =	vshll.u32 v33, $0x4;
	v31 =	vld.idx.msk [tilespmem:v22+s11+$0x0], $0xffff  }
0x130: {  	[tilespmem:v22+s11+$0x0] =	vst.idx.add.s32.msk $0xffff, v3;
	v22 =	vor.u32 v0, v23  }
0x131: {  	v34 =	vshll.u32 v34, $0x4;
	v23 =	vld.idx.msk [tilespmem:v16+s11+$0x0], $0xffff  }
0x132: {  	[tilespmem:v16+s11+$0x0] =	vst.idx.add.s32.msk $0xffff, v3;
	v16 =	vor.u32 v0, v29  }
0x133: {  	v36 =	vshll.u32 v36, $0x4;
	v29 =	vld.idx.msk [tilespmem:v14+s11+$0x0], $0xffff  }
0x134: {  	[tilespmem:v14+s11+$0x0] =	vst.idx.add.s32.msk $0xffff, v3;
	v14 =	vor.u32 v0, v33  }
0x135: {  	v31 =	vshll.u32 v31, $0x4;
	v33 =	vld.idx.msk [tilespmem:v22+s11+$0x0], $0xffff  }
0x136: {  	v21 =	vor.u32 v0, v21;
	[tilespmem:v22+s11+$0x0] =	vst.idx.add.s32.msk $0xffff, v3  }
0x137: {  	v34 =	vor.u32 v0, v34;
	v23 =	vshll.u32 v23, $0x4;
	v22 =	vld.idx.msk [tilespmem:v16+s11+$0x0], $0xffff  }
0x138: {  	[tilespmem:v16+s11+$0x0] =	vst.idx.add.s32.msk $0xffff, v3  }
0x139: {  	v16 =	vshll.u32 v29, $0x4;
	[tilespmem:v14+s12+$0x0] =	vst.idx.msk $0xffff, v11;
	v11 =	vor.u32 v0, v17  }
0x13a: {  	[tilespmem:v14+s16+$0x0] =	vst.idx.msk $0xffff, v15;
	v14 =	vor.u32 v0, v36  }
0x13b: {  	v15 =	vshll.u32 v33, $0x4;
	[tilespmem:v21+s8+$0x0] =	vst.idx.add.s32.msk $0xffff, v3  }
0x13c: {  	[tilespmem:v34+s12+$0x0] =	vst.idx.msk $0xffff, v10;
	v10 =	vor.u32 v0, v18  }
0x13d: {  	v17 =	vshll.u32 v22, $0x4;
	[tilespmem:v34+s16+$0x0] =	vst.idx.msk $0xffff, v12;
	v12 =	vor.u32 v0, v31  }
0x13e: {  	[tilespmem:v11+s8+$0x0] =	vst.idx.add.s32.msk $0xffff, v3  }
0x13f: {  	[tilespmem:v14+s12+$0x0] =	vst.idx.msk $0xffff, v8;
	v8 =	vor.u32 v0, v25  }
0x140: {  	v11 =	vor.u32 v0, v23;
	[tilespmem:v14+s16+$0x0] =	vst.idx.msk $0xffff, v28  }
0x141: {  	[tilespmem:v10+s8+$0x0] =	vst.idx.add.s32.msk $0xffff, v3  }
0x142: {  	v10 =	vor.u32 v0, v27;
	[tilespmem:v12+s12+$0x0] =	vst.idx.msk $0xffff, v13  }
0x143: {  	[tilespmem:v12+s16+$0x0] =	vst.idx.msk $0xffff, v7;
	v12 =	vor.u32 v0, v16  }
0x144: {  	[tilespmem:v8+s8+$0x0] =	vst.idx.add.s32.msk $0xffff, v3  }
0x145: {  	v13 =	vor.u32 v0, v32;
	[tilespmem:v11+s12+$0x0] =	vst.idx.msk $0xffff, v19  }
0x146: {  	v7 =	vor.u32 v0, v15;
	[tilespmem:v11+s16+$0x0] =	vst.idx.msk $0xffff, v24  }
.Ltmp6:
0x147: {  	[tilespmem:v10+s8+$0x0] =	vst.idx.add.s32.msk $0xffff, v3;
	(pc) =	sbr.rel @p0 .LBB2_13-.Ltmp6, $4  }
0x148: {  	v8 =	vor.u32 v0, v30;
	[tilespmem:v12+s12+$0x0] =	vst.idx.msk $0xffff, v20  }
0x149: {  	v10 =	vor.u32 v0, v17;
	[tilespmem:v12+s16+$0x0] =	vst.idx.msk $0xffff, v26  }
0x14a: {  	[tilespmem:v13+s8+$0x0] =	vst.idx.add.s32.msk $0xffff, v3  }
0x14b: {  	[tilespmem:v7+s12+$0x0] =	vst.idx.msk $0xffff, v9;
	v9 =	vor.u32 v0, v35  }
0x14c: {  	_ =	sdelay $0x3  }
0x14d: {  	[tilespmem:v7+s16+$0x0] =	vst.idx.msk $0xffff, v4  }
0x14e: {  	[tilespmem:v8+s8+$0x0] =	vst.idx.add.s32.msk $0xffff, v3  }
0x14f: {  	[tilespmem:v10+s12+$0x0] =	vst.idx.msk $0xffff, v5  }
0x150: {  	[tilespmem:v10+s16+$0x0] =	vst.idx.msk $0xffff, v6  }
0x151: {  	s17 =	simm.s32 $0x0;
	[tilespmem:v9+s8+$0x0] =	vst.idx.add.s32.msk $0xffff, v3  }
0x152: {  	v6 =	vld [tilespmem:s17+$0x10000]  }
0x153: {  	v8 =	vld [tilespmem:s17+$0x10010]  }
0x154: {  	v9 =	vld [tilespmem:s17+$0x10020]  }
0x155: {  	v7 =	vld [tilespmem:s17+$0x10030]  }
0x156: {  	v10 =	vimm.s32 $0x0;
	v4 =	vld [tilespmem:s17+$0x10040]  }
0x157: {  	v5 =	vld [tilespmem:s17+$0x10050];
	[tilespmem:s17+$0x10000] =	vst v10;
	v10 =	vadd.s32 v10, v6  }
0x158: {  	v6 =	vld [tilespmem:s17+$0x10060];
	[tilespmem:s17+$0x10010] =	vst v10;
	v10 =	vadd.s32 v8, v10  }
0x159: {  	s18 =	simm.s32 $0x80;
	s19 =	simm.s32 $0x400;
	s16 =	simm.s32 $0x200;
	v8 =	vld [tilespmem:s17+$0x10070];
	[tilespmem:s17+$0x10020] =	vst v10;
	v9 =	vadd.s32 v9, v10  }
.LBB2_15:
0x15a: {  	p0 =	sne.s32 s19, $0xFE00;
	v10 =	vld [tilespmem:s18+$0x10000];
	[tilespmem:s17+$0x10030] =	vst v9;
	v7 =	vadd.s32 v7, v9  }
0x15b: {  	v9 =	vld [tilespmem:s18+$0x10010];
	[tilespmem:s17+$0x10040] =	vst v7;
	v4 =	vadd.s32 v4, v7  }
0x15c: {  	v11 =	vld [tilespmem:s18+$0x10020];
	[tilespmem:s17+$0x10050] =	vst v4;
	v4 =	vadd.s32 v5, v4  }
.Ltmp7:
0x15d: {  	v7 =	vld [tilespmem:s18+$0x10030];
	[tilespmem:s17+$0x10060] =	vst v4;
	v5 =	vadd.s32 v6, v4;
	(pc) =	sbr.rel @p0 .LBB2_15-.Ltmp7, $4  }
0x15e: {  	v4 =	vld [tilespmem:s18+$0x10040];
	[tilespmem:s17+$0x10070] =	vst v5;
	v6 =	vadd.s32 v8, v5;
	s17 =	smov.u32 s18  }
0x15f: {  	v5 =	vld [tilespmem:s17+$0x10050];
	[tilespmem:s17+$0x10000] =	vst v6;
	v8 =	vadd.s32 v6, v10  }
0x160: {  	v6 =	vld [tilespmem:s17+$0x10060];
	[tilespmem:s17+$0x10010] =	vst v8;
	v9 =	vadd.s32 v9, v8  }
0x161: {  	s18 =	sshra.s32 s19, $0x2;
	s19 =	sadd.s32 $0x200, s19;
	v8 =	vld [tilespmem:s17+$0x10070];
	[tilespmem:s17+$0x10020] =	vst v9;
	v9 =	vadd.s32 v11, v9  }
0x162: {  	v10 =	vld [tilespmem:s18+$0x10000];
	[tilespmem:s17+$0x10030] =	vst v9;
	v7 =	vadd.s32 v7, v9  }
0x163: {  	v9 =	vld [tilespmem:s18+$0x10010];
	[tilespmem:s17+$0x10040] =	vst v7;
	v4 =	vadd.s32 v4, v7  }
0x164: {  	v7 =	vld [tilespmem:s18+$0x10020];
	[tilespmem:s17+$0x10050] =	vst v4;
	v4 =	vadd.s32 v5, v4  }
0x165: {  	v5 =	vld [tilespmem:s18+$0x10030];
	[tilespmem:s17+$0x10060] =	vst v4;
	v4 =	vadd.s32 v6, v4  }
0x166: {  	v6 =	vld [tilespmem:s18+$0x10040];
	[tilespmem:s17+$0x10070] =	vst v4;
	v4 =	vadd.s32 v8, v4  }
0x167: {  	v8 =	vld [tilespmem:s18+$0x10050];
	[tilespmem:s18+$0x10000] =	vst v4;
	v4 =	vadd.s32 v4, v10  }
0x168: {  	v10 =	vld [tilespmem:s18+$0x10060];
	[tilespmem:s18+$0x10010] =	vst v4;
	v4 =	vadd.s32 v9, v4  }
0x169: {  	[tilespmem:s18+$0x10020] =	vst v4;
	v4 =	vadd.s32 v7, v4  }
0x16a: {  	[tilespmem:s18+$0x10030] =	vst v4;
	v4 =	vadd.s32 v5, v4  }
0x16b: {  	[tilespmem:s18+$0x10040] =	vst v4;
	v4 =	vadd.s32 v6, v4  }
0x16c: {  	[tilespmem:s18+$0x10050] =	vst v4;
	v4 =	vadd.s32 v8, v4  }
0x16d: {  	[tilespmem:s18+$0x10060] =	vst v4;
	v4 =	vadd.s32 v10, v4  }
0x16e: {  	s31 =	simm.s32 $0x0;
	[tilespmem:s18+$0x10070] =	vst v4  }
0x16f: {  	v5 =	vld [tilespmem:s31+$0x4020]  }
0x170: {  	v6 =	vld [tilespmem:s31+$0x4010]  }
0x171: {  	v4 =	vld [tilespmem:s31+$0x60]  }
0x172: {  	v8 =	vld [tilespmem:s31+$0x30]  }
0x173: {  	v7 =	vld [tilespmem:s31+$0x4000]  }
0x174: {  	v9 =	vld [tilespmem:s31+$0x10]  }
0x175: {  	v10 =	vld [tilespmem:s31+$0x4030]  }
0x176: {  	v11 =	vld [tilespmem:s31+$0x0]  }
0x177: {  	v12 =	vld [tilespmem:s31+$0x4040]  }
0x178: {  	v13 =	vld [tilespmem:s31+$0x4070];
	v7 =	vshrl.u32 v7, $0x10  }
0x179: {  	v14 =	vld [tilespmem:s31+$0x4050];
	v7 =	vand.u32 $0x3FF0, v7  }
0x17a: {  	v15 =	vld [tilespmem:s31+$0x4060];
	v6 =	vshrl.u32 v6, $0x10;
	v7 =	vor.u32 v0, v7  }
0x17b: {  	v16 =	vld [tilespmem:s31+$0x40];
	v6 =	vand.u32 $0x3FF0, v6  }
0x17c: {  	v19 =	vld [tilespmem:s31+$0x20];
	v17 =	vshrl.u32 v5, $0x10;
	v18 =	vor.u32 v0, v6  }
0x17d: {  	v5 =	vld [tilespmem:s31+$0x50];
	v17 =	vand.u32 $0x3FF0, v17  }
0x17e: {  	v10 =	vshrl.u32 v10, $0x10;
	v6 =	vld [tilespmem:s31+$0x70];
	v17 =	vor.u32 v0, v17  }
0x17f: {  	v10 =	vand.u32 $0x3FF0, v10;
	v20 =	vld.idx.msk [tilespmem:v7+s8+$0x0], $0xffff  }
0x180: {  	v12 =	vshrl.u32 v12, $0x10;
	[tilespmem:v7+s8+$0x0] =	vst.idx.add.s32.msk $0xffff, v3;
	v7 =	vor.u32 v0, v10  }
0x181: {  	v10 =	vand.u32 $0x3FF0, v12;
	v58 =	vld.idx.msk [tilespmem:v18+s8+$0x0], $0xffff  }
0x182: {  	v14 =	vshrl.u32 v14, $0x10;
	[tilespmem:v18+s8+$0x0] =	vst.idx.add.s32.msk $0xffff, v3;
	v10 =	vor.u32 v0, v10  }
0x183: {  	v14 =	vand.u32 $0x3FF0, v14;
	v18 =	vld.idx.msk [tilespmem:v17+s8+$0x0], $0xffff  }
0x184: {  	v15 =	vshrl.u32 v15, $0x10;
	v14 =	vor.u32 v0, v14;
	[tilespmem:v17+s8+$0x0] =	vst.idx.add.s32.msk $0xffff, v3  }
0x185: {  	v15 =	vand.u32 $0x3FF0, v15;
	v17 =	vld.idx.msk [tilespmem:v7+s8+$0x0], $0xffff  }
0x186: {  	v13 =	vshrl.u32 v13, $0x10;
	[tilespmem:v7+s8+$0x0] =	vst.idx.add.s32.msk $0xffff, v3;
	v7 =	vor.u32 v0, v15  }
0x187: {  	v13 =	vand.u32 $0x3FF0, v13;
	v59 =	vld.idx.msk [tilespmem:v10+s8+$0x0], $0xffff  }
0x188: {  	[tilespmem:v10+s8+$0x0] =	vst.idx.add.s32.msk $0xffff, v3;
	v10 =	vor.u32 v0, v13  }
0x189: {  	v60 =	vld.idx.msk [tilespmem:v14+s8+$0x0], $0xffff  }
0x18a: {  	v61 =	vadd.s32 v2, v20;
	[tilespmem:v14+s8+$0x0] =	vst.idx.add.s32.msk $0xffff, v3  }
0x18b: {  	v12 =	vadd.s32 v2, v58;
	v62 =	vld.idx.msk [tilespmem:v7+s8+$0x0], $0xffff  }
0x18c: {  	[tilespmem:v7+s8+$0x0] =	vst.idx.add.s32.msk $0xffff, v3;
	v7 =	vadd.s32 v2, v18  }
0x18d: {  	v17 =	vadd.s32 v2, v17;
	v63 =	vld.idx.msk [tilespmem:v10+s8+$0x0], $0xffff  }
0x18e: {  	[tilespmem:v10+s8+$0x0] =	vst.idx.add.s32.msk $0xffff, v3  }
0x18f: {  	v10 =	vadd.s32 v2, v59;
	[tilespmem:v61+s9+$0x0] =	vst.idx.msk $0xffff, v11  }
0x190: {  	[tilespmem:v12+s9+$0x0] =	vst.idx.msk $0xffff, v9  }
0x191: {  	[tilespmem:v7+s9+$0x0] =	vst.idx.msk $0xffff, v19;
	v7 =	vadd.s32 v2, v60  }
0x192: {  	[tilespmem:v17+s9+$0x0] =	vst.idx.msk $0xffff, v8;
	v8 =	vadd.s32 v2, v62;
	_ =	sdelay $0x1  }
0x193: {  	v9 =	vadd.s32 v2, v63;
	[tilespmem:v10+s9+$0x0] =	vst.idx.msk $0xffff, v16  }
.LBB2_17:
0x194: {  	p0 =	sne.s32 s16, $0xF800;
	s17 =	smov.u32 s16;
	s16 =	sadd.s32 $0x200, s16  }
0x195: {  	[tilespmem:v7+s9+$0x0] =	vst.idx.msk $0xffff, v5  }
0x196: {  	[tilespmem:v8+s9+$0x0] =	vst.idx.msk $0xffff, v4;
	_ =	sdelay $0x1  }
0x197: {  	s17 =	sshra.s32 s17, $0x2;
	[tilespmem:v9+s9+$0x0] =	vst.idx.msk $0xffff, v6  }
0x198: {  	v5 =	vld [tilespmem:s17+$0x4020]  }
0x199: {  	v6 =	vld [tilespmem:s17+$0x4010]  }
0x19a: {  	v4 =	vld [tilespmem:s17+$0x60]  }
0x19b: {  	v9 =	vld [tilespmem:s17+$0x30]  }
0x19c: {  	v7 =	vld [tilespmem:s17+$0x4000]  }
0x19d: {  	v8 =	vld [tilespmem:s17+$0x10];
	v5 =	vshrl.u32 v5, $0x10  }
0x19e: {  	v10 =	vld [tilespmem:s17+$0x4030];
	v6 =	vshrl.u32 v6, $0x10;
	v11 =	vand.u32 $0x3FF0, v5  }
0x19f: {  	v12 =	vld [tilespmem:s17+$0x0];
	v6 =	vand.u32 $0x3FF0, v6  }
0x1a0: {  	v13 =	vld [tilespmem:s17+$0x4040]  }
0x1a1: {  	v14 =	vld [tilespmem:s17+$0x4070];
	v5 =	vshrl.u32 v7, $0x10  }
0x1a2: {  	v7 =	vld [tilespmem:s17+$0x4050];
	v5 =	vand.u32 $0x3FF0, v5  }
0x1a3: {  	v15 =	vld [tilespmem:s17+$0x4060];
	v10 =	vshrl.u32 v10, $0x10;
	v16 =	vor.u32 v0, v5  }
0x1a4: {  	v17 =	vld [tilespmem:s17+$0x40];
	v10 =	vand.u32 $0x3FF0, v10  }
0x1a5: {  	v18 =	vor.u32 v0, v6;
	v5 =	vld [tilespmem:s17+$0x50];
	v13 =	vshrl.u32 v13, $0x10  }
0x1a6: {  	v19 =	vld [tilespmem:s17+$0x20];
	v14 =	vshrl.u32 v14, $0x10;
	v13 =	vand.u32 $0x3FF0, v13  }
0x1a7: {  	v11 =	vor.u32 v0, v11;
	v6 =	vld [tilespmem:s17+$0x70];
	v7 =	vshrl.u32 v7, $0x10;
	v14 =	vand.u32 $0x3FF0, v14  }
0x1a8: {  	v15 =	vshrl.u32 v15, $0x10;
	v20 =	vld.idx.msk [tilespmem:v16+s8+$0x0], $0xffff;
	v7 =	vand.u32 $0x3FF0, v7  }
0x1a9: {  	v10 =	vor.u32 v0, v10;
	[tilespmem:v16+s8+$0x0] =	vst.idx.add.s32.msk $0xffff, v3;
	v15 =	vand.u32 $0x3FF0, v15  }
0x1aa: {  	v16 =	vld.idx.msk [tilespmem:v18+s8+$0x0], $0xffff  }
0x1ab: {  	v13 =	vor.u32 v0, v13;
	[tilespmem:v18+s8+$0x0] =	vst.idx.add.s32.msk $0xffff, v3  }
0x1ac: {  	v18 =	vld.idx.msk [tilespmem:v11+s8+$0x0], $0xffff  }
0x1ad: {  	v7 =	vor.u32 v0, v7;
	[tilespmem:v11+s8+$0x0] =	vst.idx.add.s32.msk $0xffff, v3  }
0x1ae: {  	v11 =	vld.idx.msk [tilespmem:v10+s8+$0x0], $0xffff  }
0x1af: {  	[tilespmem:v10+s8+$0x0] =	vst.idx.add.s32.msk $0xffff, v3;
	v10 =	vor.u32 v0, v15  }
0x1b0: {  	v15 =	vld.idx.msk [tilespmem:v13+s8+$0x0], $0xffff  }
0x1b1: {  	[tilespmem:v13+s8+$0x0] =	vst.idx.add.s32.msk $0xffff, v3;
	v13 =	vor.u32 v0, v14  }
0x1b2: {  	v14 =	vld.idx.msk [tilespmem:v7+s8+$0x0], $0xffff  }
0x1b3: {  	[tilespmem:v7+s8+$0x0] =	vst.idx.add.s32.msk $0xffff, v3;
	v7 =	vadd.s32 v2, v20  }
0x1b4: {  	v16 =	vadd.s32 v2, v16;
	v20 =	vld.idx.msk [tilespmem:v10+s8+$0x0], $0xffff  }
0x1b5: {  	[tilespmem:v10+s8+$0x0] =	vst.idx.add.s32.msk $0xffff, v3;
	v10 =	vadd.s32 v2, v18  }
0x1b6: {  	v11 =	vadd.s32 v2, v11;
	v18 =	vld.idx.msk [tilespmem:v13+s8+$0x0], $0xffff  }
0x1b7: {  	[tilespmem:v13+s8+$0x0] =	vst.idx.add.s32.msk $0xffff, v3;
	v13 =	vadd.s32 v2, v15  }
.Ltmp8:
0x1b8: {  	[tilespmem:v7+s9+$0x0] =	vst.idx.msk $0xffff, v12;
	v7 =	vadd.s32 v2, v14;
	(pc) =	sbr.rel @p0 .LBB2_17-.Ltmp8, $4  }
0x1b9: {  	[tilespmem:v16+s9+$0x0] =	vst.idx.msk $0xffff, v8  }
0x1ba: {  	v8 =	vadd.s32 v2, v20;
	[tilespmem:v10+s9+$0x0] =	vst.idx.msk $0xffff, v19  }
0x1bb: {  	[tilespmem:v11+s9+$0x0] =	vst.idx.msk $0xffff, v9  }
0x1bc: {  	v9 =	vadd.s32 v2, v18;
	[tilespmem:v13+s9+$0x0] =	vst.idx.msk $0xffff, v17  }
0x1bd: {  	_ =	sdelay $0x3  }
0x1be: {  	[tilespmem:v7+s9+$0x0] =	vst.idx.msk $0xffff, v5;
	s14 =	sadd.s32 $0x1, s14  }
0x1bf: {  	[tilespmem:v8+s9+$0x0] =	vst.idx.msk $0xffff, v4;
	p0 =	sne.s32 s14, $0x8  }
.Ltmp9:
0x1c0: {  	s15 =	sadd.s32 s4, s15;
	[tilespmem:v9+s9+$0x0] =	vst.idx.msk $0xffff, v6;
	(pc) =	sbr.rel @p0 .LBB2_2-.Ltmp9, $4  }
0x1c1: {  	[hbm4b:s15+s2] =	stream.linear.scatter [tilespmem:s9], [sflag:$0x1], $0x4000, $0x38;
	[tilespmem:$0x18000] =	vst v63  }
0x1c2: {  	_ =	swait.ge [sflag:s7], $0x4000  }
0x1c3: {  	[sflag:s7] =	ssyncset.done $0x0  }
0x1c4: {  	[sflag:s7] =	ssyncadd.s32 $0xFFFFC000  }
0x1c5: {  	s13 =	sadd.s32 $0x1, s13  }
0x1c6: {  	p0 =	sne.s32 s13, s6  }
.Ltmp10:
0x1c7: {  	_ = 	snop;
	(pc) =	sbr.rel @p0 .LBB2_1-.Ltmp10, $1  }
0x1c8: {  	_ =	sdelay $0x3  }
0x1c9: {  	_ =	sfence.sel $0x180000  }
0x1ca: {  	[bflag:$0x0] =	sbarrier.arrive $0xFFFF  }
0x1cb: {  	p0 =	sne.s32 s3, $0x0;
	_ =	strace $0x90000047  }
0x1cc: {  	s0 =	sadd.s32 @!p0 $0x100000, s0;
	[bflag:$0x2] =	sbarrier.arrive $0xFFFF  }
0x1cd: {  	[sflag:s0] =	ssyncadd.tile.s32 @!p0 $0x1;
	_ =	shalt  }
.Lfunc_end2:
_tile_overlayer_lowered:
.L_overlay_start_2:
0x1ce: {  	(tag) =	ssettag $0x2  }
0x1cf: {  	s0 =	rddreg [dreg:$0x0];
	s2 =	stileid.u32  }
0x1d0: {  	s1 =	rddreg [dreg:$0x1];
	p0 =	sne.s32 s2, $0x0  }
0x1d1: {  	s3 =	rddreg [dreg:$0x2];
	[bflag:$0x3] =	sbarrier.arrive $0xFFFF;
	s2 =	simm.s32 @!p0 $0x1C01  }
0x1d2: {  	[timem:s3], [sflag:s2] =	dma.local @!p0 [hbm:s0], s1  }
0x1d3: {  	s0 =	simm.s32 @!p0 $0x1  }
0x1d4: {  	_ =	swait.ge @!p0 [sflag:s0], s1  }
0x1d5: {  	s1 =	ssub.s32 @!p0 $0x0, s1;
	[sflag:s0] =	ssyncset.done @!p0 $0x0  }
0x1d6: {  	[sflag:s0] =	ssyncadd.s32 @!p0 s1  }
0x1d7: {  	[bflag:$0x3] =	sbarrier.arrive $0xFFFF  }
0x1d8: {  	_ =	shalt  }

</sc_bundles>
